<compile_context>
chip_gen: v7x
topology: tpu7x:2x2x1
jax: 0.10.2.dev20260603
libtpu: 0.0.44.dev20260713+nightly
codegen_flags: <defaults>
</compile_context>

<pallas_src>
import functools

import jax
import jax.numpy as jnp
from jax import lax
from jax.experimental import pallas as pl
from jax.experimental.pallas import tpu as pltpu
from jax.experimental.pallas import tpu_sc as plsc

NC = 2
NS = 16
NW = NC * NS

B = 4096 * 50
D = 128
B_W = B // NW
CHUNK = 128
NCHUNK = B_W // CHUNK
NBUF = 5
FIRE = 4

_mesh = plsc.VectorSubcoreMesh(core_axis_name="c", subcore_axis_name="s")


@functools.partial(
    pl.kernel,
    out_type=jax.ShapeDtypeStruct((B, D), jnp.float32),
    mesh=_mesh,
    scratch_types=[
        pltpu.VMEM((NCHUNK, CHUNK), jnp.int32),
        pltpu.VMEM((NBUF, CHUNK, D), jnp.float32),
        [pltpu.SemaphoreType.DMA] * NBUF,
        [pltpu.SemaphoreType.DMA] * NBUF,
    ],
)
def _gather_kernel(table_hbm, idx_hbm, out_hbm, idx_v, rows_v, gsems, osems):
    wid = lax.axis_index("c") * NS + lax.axis_index("s")
    col = wid * CHUNK
    pltpu.sync_copy(idx_hbm.at[:, pl.ds(col, CHUNK)], idx_v)

    def _fire_gather(chunk, b):
        pltpu.async_copy(
            table_hbm.at[idx_v.at[chunk]],
            rows_v.at[b],
            gsems[b],
        )

    def _fire_write(chunk, b):
        pltpu.async_copy(
            rows_v.at[b],
            out_hbm.at[pl.ds(chunk * 4096 + col, CHUNK)],
            osems[b],
        )

    def _wait(sem, b):
        pltpu.make_async_copy(
            table_hbm.at[pl.ds(0, CHUNK)], rows_v.at[b], sem[b]
        ).wait()

    def _step(chunk, b, fire_m, wait_prev_write):
        _wait(gsems, b)
        _fire_write(chunk, b)
        m = chunk + FIRE
        if fire_m:
            bm = (b + FIRE) % NBUF
            if wait_prev_write:
                _wait(osems, bm)
            _fire_gather(m, bm)

    for j in range(FIRE):
        _fire_gather(j, j)
    for c in range(NBUF):
        _step(c, c, c + FIRE < NCHUNK, c + FIRE >= NBUF)

    @pl.loop(NBUF, NCHUNK - NBUF, step=NBUF)
    def _round(c0):
        for b in range(NBUF):
            _step(c0 + b, b, True, True)

    for c in range(NCHUNK - NBUF, NCHUNK):
        _step(c, c % NBUF, c + FIRE < NCHUNK, True)
    for b in range(NBUF):
        _wait(osems, b)


def kernel(x, table):
    idx = x.T.astype(jnp.int32)
    out = _gather_kernel(table, idx)
    return out.reshape(50, 4096, D).transpose(1, 0, 2)

# --- scband reference (transcript-rebuilt; emitter-appended) ---
"""Pipeline reference for scband-token-embedding-module-46256797778112 (READ-ONLY COPY).

The authoritative reference and input builder live on the scoring server;
editing this copy changes nothing except your own understanding.
"""

import jax, jax.numpy as jnp
import numpy as np

VOCAB = 100000
EMBED_DIM = 128

def setup_inputs(seed: int = 0) -> dict:
    key = jax.random.key(seed)
    k_idx, k_w = jax.random.split(key)
    x = jax.random.randint(k_idx, (4096, 50), 0, VOCAB, dtype=jnp.int64 if jax.config.jax_enable_x64 else jnp.int32)
    table = jax.random.normal(k_w, (VOCAB, EMBED_DIM), dtype=jnp.float32)
    return {"x": x, "table": table}

def reference(x, table):
    # nn.Embedding forward: gather rows of the table by index
    return jnp.take(table, x, axis=0)

if __name__ == "__main__":
    import jax
    _d = setup_inputs()
    print(jax.jit(kernel)(*tuple(_d.values())))

</pallas_src>

<mosaic_0001>
#map = affine_map<(d0, d1) -> (0, 0)>
module attributes {stable_mosaic.version = 14 : i64} {
  func.func @_gather_kernel(%arg0: i32, %arg1: i32, %arg2: memref<100000x128xf32, #tpu.memory_space<hbm>>, %arg3: memref<50x4096xi32, #tpu.memory_space<hbm>>, %arg4: memref<204800x128xf32, #tpu.memory_space<hbm>>, %arg5: memref<50x128xi32, #tpu.memory_space<vmem>>, %arg6: memref<5x128x128xf32, #tpu.memory_space<vmem>>, %arg7: memref<!tpu.dma_semaphore, #tpu.memory_space<semaphore_mem>>, %arg8: memref<!tpu.dma_semaphore, #tpu.memory_space<semaphore_mem>>, %arg9: memref<!tpu.dma_semaphore, #tpu.memory_space<semaphore_mem>>, %arg10: memref<!tpu.dma_semaphore, #tpu.memory_space<semaphore_mem>>, %arg11: memref<!tpu.dma_semaphore, #tpu.memory_space<semaphore_mem>>, %arg12: memref<!tpu.dma_semaphore, #tpu.memory_space<semaphore_mem>>, %arg13: memref<!tpu.dma_semaphore, #tpu.memory_space<semaphore_mem>>, %arg14: memref<!tpu.dma_semaphore, #tpu.memory_space<semaphore_mem>>, %arg15: memref<!tpu.dma_semaphore, #tpu.memory_space<semaphore_mem>>, %arg16: memref<!tpu.dma_semaphore, #tpu.memory_space<semaphore_mem>>) attributes {dimension_semantics = [#tpu.dimension_semantics<core_parallel>, #tpu.dimension_semantics<subcore_parallel>], iteration_bounds = array<i64: 2, 16>, scalar_prefetch = 0 : i64, scratch_operands = 12 : i64, tpu.core_type = #tpu.core_type<sc_vector_subcore>, window_params = [{transform_indices = #map}, {transform_indices = #map}, {transform_indices = #map}]} {
    %mul3A = arith.constant 16 : i32
    %mul3A_0 = arith.muli %arg0, %mul3A : i32
    %add3A = arith.addi %mul3A_0, %arg1 : i32
    %mul3A_1 = arith.constant 128 : i32
    %mul3A_2 = arith.muli %add3A, %mul3A_1 : i32
    "tpu.region"() ({
      %run_scoped3A = tpu.sem_alloc : memref<!tpu.dma_semaphore, #tpu.memory_space<semaphore_mem>>
      %dma_start3A_575 = arith.constant 0 : i32
      %dma_start3A_576 = tpu.memref_slice %arg3[%dma_start3A_575, %mul3A_2] : memref<50x4096xi32, #tpu.memory_space<hbm>> -> memref<50x128xi32, #tpu.memory_space<hbm>>
      %dma_start3A_577 = arith.constant 0 : i32
      %dma_start3A_578 = tpu.memref_slice %arg3[%dma_start3A_577, %mul3A_2] : memref<50x4096xi32, #tpu.memory_space<hbm>> -> memref<50x128xi32, #tpu.memory_space<hbm>>
      tpu.enqueue_dma source(%dma_start3A_578 : memref<50x128xi32, #tpu.memory_space<hbm>>) target(%arg5 : memref<50x128xi32, #tpu.memory_space<vmem>>) target_semaphore(%run_scoped3A : memref<!tpu.dma_semaphore, #tpu.memory_space<semaphore_mem>>)
      %dma_wait3A_579 = arith.constant 0 : i32
      %dma_wait3A_580 = tpu.memref_slice %arg3[%dma_wait3A_579, %mul3A_2] : memref<50x4096xi32, #tpu.memory_space<hbm>> -> memref<50x128xi32, #tpu.memory_space<hbm>>
      %dma_wait3A_581 = arith.constant 0 : i32
      %dma_wait3A_582 = tpu.memref_slice %arg3[%dma_wait3A_581, %mul3A_2] : memref<50x4096xi32, #tpu.memory_space<hbm>> -> memref<50x128xi32, #tpu.memory_space<hbm>>
      tpu.wait_dma2 semaphore(%run_scoped3A : memref<!tpu.dma_semaphore, #tpu.memory_space<semaphore_mem>>) src(%dma_wait3A_582 : memref<50x128xi32, #tpu.memory_space<hbm>>) dst(%arg5 : memref<50x128xi32, #tpu.memory_space<vmem>>)
      tpu.yield
    }) : () -> ()
    %dma_start3A = arith.constant 0 : i32
    %dma_start3A_3 = arith.constant 0 : i32
    %dma_start3A_4 = arith.constant 0 : i32
    %dma_start3A_5 = arith.constant 0 : i32
    %dma_start3A_6 = tpu.memref_slice %arg6[%dma_start3A_3, %dma_start3A_4, %dma_start3A_5] : memref<5x128x128xf32, #tpu.memory_space<vmem>> -> memref<1x128x128xf32, #tpu.memory_space<vmem>>
    %dma_start3A_7 = tpu.memref_squeeze %dma_start3A_6 : memref<1x128x128xf32, #tpu.memory_space<vmem>> -> memref<128x128xf32, #tpu.memory_space<vmem>>
    %dma_start3A_8 = arith.constant 0 : i32
    %dma_start3A_9 = tpu.memref_slice %arg5[%dma_start3A, %dma_start3A_8] : memref<50x128xi32, #tpu.memory_space<vmem>> -> memref<1x128xi32, #tpu.memory_space<vmem>>
    %dma_start3A_10 = tpu.memref_squeeze %dma_start3A_9 : memref<1x128xi32, #tpu.memory_space<vmem>> -> memref<128xi32, #tpu.memory_space<vmem>>
    %dma_start3A_11 = arith.constant 0 : i32
    %dma_start3A_12 = arith.constant 0 : i32
    %dma_start3A_13 = tpu.memref_slice %arg2[%dma_start3A_11, %dma_start3A_12] : memref<100000x128xf32, #tpu.memory_space<hbm>> -> memref<100000x128xf32, #tpu.memory_space<hbm>>
    tpu.enqueue_indirect_dma source(%dma_start3A_13 : memref<100000x128xf32, #tpu.memory_space<hbm>>) target(%dma_start3A_7 : memref<128x128xf32, #tpu.memory_space<vmem>>) offsets(%dma_start3A_10 : memref<128xi32, #tpu.memory_space<vmem>>) semaphore(%arg7 : memref<!tpu.dma_semaphore, #tpu.memory_space<semaphore_mem>>)
    %dma_start3A_14 = arith.constant 1 : i32
    %dma_start3A_15 = arith.constant 1 : i32
    %dma_start3A_16 = arith.constant 0 : i32
    %dma_start3A_17 = arith.constant 0 : i32
    %dma_start3A_18 = tpu.memref_slice %arg6[%dma_start3A_15, %dma_start3A_16, %dma_start3A_17] : memref<5x128x128xf32, #tpu.memory_space<vmem>> -> memref<1x128x128xf32, #tpu.memory_space<vmem>>
    %dma_start3A_19 = tpu.memref_squeeze %dma_start3A_18 : memref<1x128x128xf32, #tpu.memory_space<vmem>> -> memref<128x128xf32, #tpu.memory_space<vmem>>
    %dma_start3A_20 = arith.constant 0 : i32
    %dma_start3A_21 = tpu.memref_slice %arg5[%dma_start3A_14, %dma_start3A_20] : memref<50x128xi32, #tpu.memory_space<vmem>> -> memref<1x128xi32, #tpu.memory_space<vmem>>
    %dma_start3A_22 = tpu.memref_squeeze %dma_start3A_21 : memref<1x128xi32, #tpu.memory_space<vmem>> -> memref<128xi32, #tpu.memory_space<vmem>>
    %dma_start3A_23 = arith.constant 0 : i32
    %dma_start3A_24 = arith.constant 0 : i32
    %dma_start3A_25 = tpu.memref_slice %arg2[%dma_start3A_23, %dma_start3A_24] : memref<100000x128xf32, #tpu.memory_space<hbm>> -> memref<100000x128xf32, #tpu.memory_space<hbm>>
    tpu.enqueue_indirect_dma source(%dma_start3A_25 : memref<100000x128xf32, #tpu.memory_space<hbm>>) target(%dma_start3A_19 : memref<128x128xf32, #tpu.memory_space<vmem>>) offsets(%dma_start3A_22 : memref<128xi32, #tpu.memory_space<vmem>>) semaphore(%arg8 : memref<!tpu.dma_semaphore, #tpu.memory_space<semaphore_mem>>)
    %dma_start3A_26 = arith.constant 2 : i32
    %dma_start3A_27 = arith.constant 2 : i32
    %dma_start3A_28 = arith.constant 0 : i32
    %dma_start3A_29 = arith.constant 0 : i32
    %dma_start3A_30 = tpu.memref_slice %arg6[%dma_start3A_27, %dma_start3A_28, %dma_start3A_29] : memref<5x128x128xf32, #tpu.memory_space<vmem>> -> memref<1x128x128xf32, #tpu.memory_space<vmem>>
    %dma_start3A_31 = tpu.memref_squeeze %dma_start3A_30 : memref<1x128x128xf32, #tpu.memory_space<vmem>> -> memref<128x128xf32, #tpu.memory_space<vmem>>
    %dma_start3A_32 = arith.constant 0 : i32
    %dma_start3A_33 = tpu.memref_slice %arg5[%dma_start3A_26, %dma_start3A_32] : memref<50x128xi32, #tpu.memory_space<vmem>> -> memref<1x128xi32, #tpu.memory_space<vmem>>
    %dma_start3A_34 = tpu.memref_squeeze %dma_start3A_33 : memref<1x128xi32, #tpu.memory_space<vmem>> -> memref<128xi32, #tpu.memory_space<vmem>>
    %dma_start3A_35 = arith.constant 0 : i32
    %dma_start3A_36 = arith.constant 0 : i32
    %dma_start3A_37 = tpu.memref_slice %arg2[%dma_start3A_35, %dma_start3A_36] : memref<100000x128xf32, #tpu.memory_space<hbm>> -> memref<100000x128xf32, #tpu.memory_space<hbm>>
    tpu.enqueue_indirect_dma source(%dma_start3A_37 : memref<100000x128xf32, #tpu.memory_space<hbm>>) target(%dma_start3A_31 : memref<128x128xf32, #tpu.memory_space<vmem>>) offsets(%dma_start3A_34 : memref<128xi32, #tpu.memory_space<vmem>>) semaphore(%arg9 : memref<!tpu.dma_semaphore, #tpu.memory_space<semaphore_mem>>)
    %dma_start3A_38 = arith.constant 3 : i32
    %dma_start3A_39 = arith.constant 3 : i32
    %dma_start3A_40 = arith.constant 0 : i32
    %dma_start3A_41 = arith.constant 0 : i32
    %dma_start3A_42 = tpu.memref_slice %arg6[%dma_start3A_39, %dma_start3A_40, %dma_start3A_41] : memref<5x128x128xf32, #tpu.memory_space<vmem>> -> memref<1x128x128xf32, #tpu.memory_space<vmem>>
    %dma_start3A_43 = tpu.memref_squeeze %dma_start3A_42 : memref<1x128x128xf32, #tpu.memory_space<vmem>> -> memref<128x128xf32, #tpu.memory_space<vmem>>
    %dma_start3A_44 = arith.constant 0 : i32
    %dma_start3A_45 = tpu.memref_slice %arg5[%dma_start3A_38, %dma_start3A_44] : memref<50x128xi32, #tpu.memory_space<vmem>> -> memref<1x128xi32, #tpu.memory_space<vmem>>
    %dma_start3A_46 = tpu.memref_squeeze %dma_start3A_45 : memref<1x128xi32, #tpu.memory_space<vmem>> -> memref<128xi32, #tpu.memory_space<vmem>>
    %dma_start3A_47 = arith.constant 0 : i32
    %dma_start3A_48 = arith.constant 0 : i32
    %dma_start3A_49 = tpu.memref_slice %arg2[%dma_start3A_47, %dma_start3A_48] : memref<100000x128xf32, #tpu.memory_space<hbm>> -> memref<100000x128xf32, #tpu.memory_space<hbm>>
    tpu.enqueue_indirect_dma source(%dma_start3A_49 : memref<100000x128xf32, #tpu.memory_space<hbm>>) target(%dma_start3A_43 : memref<128x128xf32, #tpu.memory_space<vmem>>) offsets(%dma_start3A_46 : memref<128xi32, #tpu.memory_space<vmem>>) semaphore(%arg10 : memref<!tpu.dma_semaphore, #tpu.memory_space<semaphore_mem>>)
    %dma_wait3A = arith.constant 0 : i32
    %dma_wait3A_50 = arith.constant 0 : i32
    %dma_wait3A_51 = arith.constant 0 : i32
    %dma_wait3A_52 = tpu.memref_slice %arg6[%dma_wait3A, %dma_wait3A_50, %dma_wait3A_51] : memref<5x128x128xf32, #tpu.memory_space<vmem>> -> memref<1x128x128xf32, #tpu.memory_space<vmem>>
    %dma_wait3A_53 = tpu.memref_squeeze %dma_wait3A_52 : memref<1x128x128xf32, #tpu.memory_space<vmem>> -> memref<128x128xf32, #tpu.memory_space<vmem>>
    %dma_wait3A_54 = arith.constant 0 : i32
    %dma_wait3A_55 = arith.constant 0 : i32
    %dma_wait3A_56 = tpu.memref_slice %arg2[%dma_wait3A_54, %dma_wait3A_55] : memref<100000x128xf32, #tpu.memory_space<hbm>> -> memref<128x128xf32, #tpu.memory_space<hbm>>
    %dma_wait3A_57 = arith.constant 0 : i32
    %dma_wait3A_58 = arith.constant 0 : i32
    %dma_wait3A_59 = tpu.memref_slice %arg6[%dma_wait3A, %dma_wait3A_57, %dma_wait3A_58] : memref<5x128x128xf32, #tpu.memory_space<vmem>> -> memref<1x128x128xf32, #tpu.memory_space<vmem>>
    %dma_wait3A_60 = tpu.memref_squeeze %dma_wait3A_59 : memref<1x128x128xf32, #tpu.memory_space<vmem>> -> memref<128x128xf32, #tpu.memory_space<vmem>>
    %dma_wait3A_61 = arith.constant 0 : i32
    %dma_wait3A_62 = arith.constant 0 : i32
    %dma_wait3A_63 = tpu.memref_slice %arg2[%dma_wait3A_61, %dma_wait3A_62] : memref<100000x128xf32, #tpu.memory_space<hbm>> -> memref<128x128xf32, #tpu.memory_space<hbm>>
    tpu.wait_dma2 semaphore(%arg7 : memref<!tpu.dma_semaphore, #tpu.memory_space<semaphore_mem>>) src(%dma_wait3A_63 : memref<128x128xf32, #tpu.memory_space<hbm>>) dst(%dma_wait3A_60 : memref<128x128xf32, #tpu.memory_space<vmem>>)
    %add3A_64 = arith.constant 0 : i32
    %add3A_65 = arith.addi %add3A_64, %mul3A_2 : i32
    %dma_start3A_66 = arith.constant 0 : i32
    %dma_start3A_67 = arith.constant 0 : i32
    %dma_start3A_68 = arith.constant 0 : i32
    %dma_start3A_69 = tpu.memref_slice %arg6[%dma_start3A_66, %dma_start3A_67, %dma_start3A_68] : memref<5x128x128xf32, #tpu.memory_space<vmem>> -> memref<1x128x128xf32, #tpu.memory_space<vmem>>
    %dma_start3A_70 = tpu.memref_squeeze %dma_start3A_69 : memref<1x128x128xf32, #tpu.memory_space<vmem>> -> memref<128x128xf32, #tpu.memory_space<vmem>>
    %dma_start3A_71 = arith.constant 0 : i32
    %dma_start3A_72 = tpu.memref_slice %arg4[%add3A_65, %dma_start3A_71] : memref<204800x128xf32, #tpu.memory_space<hbm>> -> memref<128x128xf32, #tpu.memory_space<hbm>>
    %dma_start3A_73 = arith.constant 0 : i32
    %dma_start3A_74 = tpu.memref_slice %arg4[%add3A_65, %dma_start3A_73] : memref<204800x128xf32, #tpu.memory_space<hbm>> -> memref<128x128xf32, #tpu.memory_space<hbm>>
    %dma_start3A_75 = arith.constant 0 : i32
    %dma_start3A_76 = arith.constant 0 : i32
    %dma_start3A_77 = tpu.memref_slice %arg6[%dma_start3A_66, %dma_start3A_75, %dma_start3A_76] : memref<5x128x128xf32, #tpu.memory_space<vmem>> -> memref<1x128x128xf32, #tpu.memory_space<vmem>>
    %dma_start3A_78 = tpu.memref_squeeze %dma_start3A_77 : memref<1x128x128xf32, #tpu.memory_space<vmem>> -> memref<128x128xf32, #tpu.memory_space<vmem>>
    tpu.enqueue_dma source(%dma_start3A_78 : memref<128x128xf32, #tpu.memory_space<vmem>>) target(%dma_start3A_74 : memref<128x128xf32, #tpu.memory_space<hbm>>) target_semaphore(%arg12 : memref<!tpu.dma_semaphore, #tpu.memory_space<semaphore_mem>>)
    %dma_start3A_79 = arith.constant 4 : i32
    %dma_start3A_80 = arith.constant 4 : i32
    %dma_start3A_81 = arith.constant 0 : i32
    %dma_start3A_82 = arith.constant 0 : i32
    %dma_start3A_83 = tpu.memref_slice %arg6[%dma_start3A_80, %dma_start3A_81, %dma_start3A_82] : memref<5x128x128xf32, #tpu.memory_space<vmem>> -> memref<1x128x128xf32, #tpu.memory_space<vmem>>
    %dma_start3A_84 = tpu.memref_squeeze %dma_start3A_83 : memref<1x128x128xf32, #tpu.memory_space<vmem>> -> memref<128x128xf32, #tpu.memory_space<vmem>>
    %dma_start3A_85 = arith.constant 0 : i32
    %dma_start3A_86 = tpu.memref_slice %arg5[%dma_start3A_79, %dma_start3A_85] : memref<50x128xi32, #tpu.memory_space<vmem>> -> memref<1x128xi32, #tpu.memory_space<vmem>>
    %dma_start3A_87 = tpu.memref_squeeze %dma_start3A_86 : memref<1x128xi32, #tpu.memory_space<vmem>> -> memref<128xi32, #tpu.memory_space<vmem>>
    %dma_start3A_88 = arith.constant 0 : i32
    %dma_start3A_89 = arith.constant 0 : i32
    %dma_start3A_90 = tpu.memref_slice %arg2[%dma_start3A_88, %dma_start3A_89] : memref<100000x128xf32, #tpu.memory_space<hbm>> -> memref<100000x128xf32, #tpu.memory_space<hbm>>
    tpu.enqueue_indirect_dma source(%dma_start3A_90 : memref<100000x128xf32, #tpu.memory_space<hbm>>) target(%dma_start3A_84 : memref<128x128xf32, #tpu.memory_space<vmem>>) offsets(%dma_start3A_87 : memref<128xi32, #tpu.memory_space<vmem>>) semaphore(%arg11 : memref<!tpu.dma_semaphore, #tpu.memory_space<semaphore_mem>>)
    %dma_wait3A_91 = arith.constant 1 : i32
    %dma_wait3A_92 = arith.constant 0 : i32
    %dma_wait3A_93 = arith.constant 0 : i32
    %dma_wait3A_94 = tpu.memref_slice %arg6[%dma_wait3A_91, %dma_wait3A_92, %dma_wait3A_93] : memref<5x128x128xf32, #tpu.memory_space<vmem>> -> memref<1x128x128xf32, #tpu.memory_space<vmem>>
    %dma_wait3A_95 = tpu.memref_squeeze %dma_wait3A_94 : memref<1x128x128xf32, #tpu.memory_space<vmem>> -> memref<128x128xf32, #tpu.memory_space<vmem>>
    %dma_wait3A_96 = arith.constant 0 : i32
    %dma_wait3A_97 = arith.constant 0 : i32
    %dma_wait3A_98 = tpu.memref_slice %arg2[%dma_wait3A_96, %dma_wait3A_97] : memref<100000x128xf32, #tpu.memory_space<hbm>> -> memref<128x128xf32, #tpu.memory_space<hbm>>
    %dma_wait3A_99 = arith.constant 0 : i32
    %dma_wait3A_100 = arith.constant 0 : i32
    %dma_wait3A_101 = tpu.memref_slice %arg6[%dma_wait3A_91, %dma_wait3A_99, %dma_wait3A_100] : memref<5x128x128xf32, #tpu.memory_space<vmem>> -> memref<1x128x128xf32, #tpu.memory_space<vmem>>
    %dma_wait3A_102 = tpu.memref_squeeze %dma_wait3A_101 : memref<1x128x128xf32, #tpu.memory_space<vmem>> -> memref<128x128xf32, #tpu.memory_space<vmem>>
    %dma_wait3A_103 = arith.constant 0 : i32
    %dma_wait3A_104 = arith.constant 0 : i32
    %dma_wait3A_105 = tpu.memref_slice %arg2[%dma_wait3A_103, %dma_wait3A_104] : memref<100000x128xf32, #tpu.memory_space<hbm>> -> memref<128x128xf32, #tpu.memory_space<hbm>>
    tpu.wait_dma2 semaphore(%arg8 : memref<!tpu.dma_semaphore, #tpu.memory_space<semaphore_mem>>) src(%dma_wait3A_105 : memref<128x128xf32, #tpu.memory_space<hbm>>) dst(%dma_wait3A_102 : memref<128x128xf32, #tpu.memory_space<vmem>>)
    %add3A_106 = arith.constant 4096 : i32
    %add3A_107 = arith.addi %add3A_106, %mul3A_2 : i32
    %dma_start3A_108 = arith.constant 1 : i32
    %dma_start3A_109 = arith.constant 0 : i32
    %dma_start3A_110 = arith.constant 0 : i32
    %dma_start3A_111 = tpu.memref_slice %arg6[%dma_start3A_108, %dma_start3A_109, %dma_start3A_110] : memref<5x128x128xf32, #tpu.memory_space<vmem>> -> memref<1x128x128xf32, #tpu.memory_space<vmem>>
    %dma_start3A_112 = tpu.memref_squeeze %dma_start3A_111 : memref<1x128x128xf32, #tpu.memory_space<vmem>> -> memref<128x128xf32, #tpu.memory_space<vmem>>
    %dma_start3A_113 = arith.constant 0 : i32
    %dma_start3A_114 = tpu.memref_slice %arg4[%add3A_107, %dma_start3A_113] : memref<204800x128xf32, #tpu.memory_space<hbm>> -> memref<128x128xf32, #tpu.memory_space<hbm>>
    %dma_start3A_115 = arith.constant 0 : i32
    %dma_start3A_116 = tpu.memref_slice %arg4[%add3A_107, %dma_start3A_115] : memref<204800x128xf32, #tpu.memory_space<hbm>> -> memref<128x128xf32, #tpu.memory_space<hbm>>
    %dma_start3A_117 = arith.constant 0 : i32
    %dma_start3A_118 = arith.constant 0 : i32
    %dma_start3A_119 = tpu.memref_slice %arg6[%dma_start3A_108, %dma_start3A_117, %dma_start3A_118] : memref<5x128x128xf32, #tpu.memory_space<vmem>> -> memref<1x128x128xf32, #tpu.memory_space<vmem>>
    %dma_start3A_120 = tpu.memref_squeeze %dma_start3A_119 : memref<1x128x128xf32, #tpu.memory_space<vmem>> -> memref<128x128xf32, #tpu.memory_space<vmem>>
    tpu.enqueue_dma source(%dma_start3A_120 : memref<128x128xf32, #tpu.memory_space<vmem>>) target(%dma_start3A_116 : memref<128x128xf32, #tpu.memory_space<hbm>>) target_semaphore(%arg13 : memref<!tpu.dma_semaphore, #tpu.memory_space<semaphore_mem>>)
    %dma_wait3A_121 = arith.constant 0 : i32
    %dma_wait3A_122 = arith.constant 0 : i32
    %dma_wait3A_123 = arith.constant 0 : i32
    %dma_wait3A_124 = tpu.memref_slice %arg6[%dma_wait3A_121, %dma_wait3A_122, %dma_wait3A_123] : memref<5x128x128xf32, #tpu.memory_space<vmem>> -> memref<1x128x128xf32, #tpu.memory_space<vmem>>
    %dma_wait3A_125 = tpu.memref_squeeze %dma_wait3A_124 : memref<1x128x128xf32, #tpu.memory_space<vmem>> -> memref<128x128xf32, #tpu.memory_space<vmem>>
    %dma_wait3A_126 = arith.constant 0 : i32
    %dma_wait3A_127 = arith.constant 0 : i32
    %dma_wait3A_128 = tpu.memref_slice %arg2[%dma_wait3A_126, %dma_wait3A_127] : memref<100000x128xf32, #tpu.memory_space<hbm>> -> memref<128x128xf32, #tpu.memory_space<hbm>>
    %dma_wait3A_129 = arith.constant 0 : i32
    %dma_wait3A_130 = arith.constant 0 : i32
    %dma_wait3A_131 = tpu.memref_slice %arg6[%dma_wait3A_121, %dma_wait3A_129, %dma_wait3A_130] : memref<5x128x128xf32, #tpu.memory_space<vmem>> -> memref<1x128x128xf32, #tpu.memory_space<vmem>>
    %dma_wait3A_132 = tpu.memref_squeeze %dma_wait3A_131 : memref<1x128x128xf32, #tpu.memory_space<vmem>> -> memref<128x128xf32, #tpu.memory_space<vmem>>
    %dma_wait3A_133 = arith.constant 0 : i32
    %dma_wait3A_134 = arith.constant 0 : i32
    %dma_wait3A_135 = tpu.memref_slice %arg2[%dma_wait3A_133, %dma_wait3A_134] : memref<100000x128xf32, #tpu.memory_space<hbm>> -> memref<128x128xf32, #tpu.memory_space<hbm>>
    tpu.wait_dma2 semaphore(%arg12 : memref<!tpu.dma_semaphore, #tpu.memory_space<semaphore_mem>>) src(%dma_wait3A_135 : memref<128x128xf32, #tpu.memory_space<hbm>>) dst(%dma_wait3A_132 : memref<128x128xf32, #tpu.memory_space<vmem>>)
    %dma_start3A_136 = arith.constant 5 : i32
    %dma_start3A_137 = arith.constant 0 : i32
    %dma_start3A_138 = arith.constant 0 : i32
    %dma_start3A_139 = arith.constant 0 : i32
    %dma_start3A_140 = tpu.memref_slice %arg6[%dma_start3A_137, %dma_start3A_138, %dma_start3A_139] : memref<5x128x128xf32, #tpu.memory_space<vmem>> -> memref<1x128x128xf32, #tpu.memory_space<vmem>>
    %dma_start3A_141 = tpu.memref_squeeze %dma_start3A_140 : memref<1x128x128xf32, #tpu.memory_space<vmem>> -> memref<128x128xf32, #tpu.memory_space<vmem>>
    %dma_start3A_142 = arith.constant 0 : i32
    %dma_start3A_143 = tpu.memref_slice %arg5[%dma_start3A_136, %dma_start3A_142] : memref<50x128xi32, #tpu.memory_space<vmem>> -> memref<1x128xi32, #tpu.memory_space<vmem>>
    %dma_start3A_144 = tpu.memref_squeeze %dma_start3A_143 : memref<1x128xi32, #tpu.memory_space<vmem>> -> memref<128xi32, #tpu.memory_space<vmem>>
    %dma_start3A_145 = arith.constant 0 : i32
    %dma_start3A_146 = arith.constant 0 : i32
    %dma_start3A_147 = tpu.memref_slice %arg2[%dma_start3A_145, %dma_start3A_146] : memref<100000x128xf32, #tpu.memory_space<hbm>> -> memref<100000x128xf32, #tpu.memory_space<hbm>>
    tpu.enqueue_indirect_dma source(%dma_start3A_147 : memref<100000x128xf32, #tpu.memory_space<hbm>>) target(%dma_start3A_141 : memref<128x128xf32, #tpu.memory_space<vmem>>) offsets(%dma_start3A_144 : memref<128xi32, #tpu.memory_space<vmem>>) semaphore(%arg7 : memref<!tpu.dma_semaphore, #tpu.memory_space<semaphore_mem>>)
    %dma_wait3A_148 = arith.constant 2 : i32
    %dma_wait3A_149 = arith.constant 0 : i32
    %dma_wait3A_150 = arith.constant 0 : i32
    %dma_wait3A_151 = tpu.memref_slice %arg6[%dma_wait3A_148, %dma_wait3A_149, %dma_wait3A_150] : memref<5x128x128xf32, #tpu.memory_space<vmem>> -> memref<1x128x128xf32, #tpu.memory_space<vmem>>
    %dma_wait3A_152 = tpu.memref_squeeze %dma_wait3A_151 : memref<1x128x128xf32, #tpu.memory_space<vmem>> -> memref<128x128xf32, #tpu.memory_space<vmem>>
    %dma_wait3A_153 = arith.constant 0 : i32
    %dma_wait3A_154 = arith.constant 0 : i32
    %dma_wait3A_155 = tpu.memref_slice %arg2[%dma_wait3A_153, %dma_wait3A_154] : memref<100000x128xf32, #tpu.memory_space<hbm>> -> memref<128x128xf32, #tpu.memory_space<hbm>>
    %dma_wait3A_156 = arith.constant 0 : i32
    %dma_wait3A_157 = arith.constant 0 : i32
    %dma_wait3A_158 = tpu.memref_slice %arg6[%dma_wait3A_148, %dma_wait3A_156, %dma_wait3A_157] : memref<5x128x128xf32, #tpu.memory_space<vmem>> -> memref<1x128x128xf32, #tpu.memory_space<vmem>>
    %dma_wait3A_159 = tpu.memref_squeeze %dma_wait3A_158 : memref<1x128x128xf32, #tpu.memory_space<vmem>> -> memref<128x128xf32, #tpu.memory_space<vmem>>
    %dma_wait3A_160 = arith.constant 0 : i32
    %dma_wait3A_161 = arith.constant 0 : i32
    %dma_wait3A_162 = tpu.memref_slice %arg2[%dma_wait3A_160, %dma_wait3A_161] : memref<100000x128xf32, #tpu.memory_space<hbm>> -> memref<128x128xf32, #tpu.memory_space<hbm>>
    tpu.wait_dma2 semaphore(%arg9 : memref<!tpu.dma_semaphore, #tpu.memory_space<semaphore_mem>>) src(%dma_wait3A_162 : memref<128x128xf32, #tpu.memory_space<hbm>>) dst(%dma_wait3A_159 : memref<128x128xf32, #tpu.memory_space<vmem>>)
    %add3A_163 = arith.constant 8192 : i32
    %add3A_164 = arith.addi %add3A_163, %mul3A_2 : i32
    %dma_start3A_165 = arith.constant 2 : i32
    %dma_start3A_166 = arith.constant 0 : i32
    %dma_start3A_167 = arith.constant 0 : i32
    %dma_start3A_168 = tpu.memref_slice %arg6[%dma_start3A_165, %dma_start3A_166, %dma_start3A_167] : memref<5x128x128xf32, #tpu.memory_space<vmem>> -> memref<1x128x128xf32, #tpu.memory_space<vmem>>
    %dma_start3A_169 = tpu.memref_squeeze %dma_start3A_168 : memref<1x128x128xf32, #tpu.memory_space<vmem>> -> memref<128x128xf32, #tpu.memory_space<vmem>>
    %dma_start3A_170 = arith.constant 0 : i32
    %dma_start3A_171 = tpu.memref_slice %arg4[%add3A_164, %dma_start3A_170] : memref<204800x128xf32, #tpu.memory_space<hbm>> -> memref<128x128xf32, #tpu.memory_space<hbm>>
    %dma_start3A_172 = arith.constant 0 : i32
    %dma_start3A_173 = tpu.memref_slice %arg4[%add3A_164, %dma_start3A_172] : memref<204800x128xf32, #tpu.memory_space<hbm>> -> memref<128x128xf32, #tpu.memory_space<hbm>>
    %dma_start3A_174 = arith.constant 0 : i32
    %dma_start3A_175 = arith.constant 0 : i32
    %dma_start3A_176 = tpu.memref_slice %arg6[%dma_start3A_165, %dma_start3A_174, %dma_start3A_175] : memref<5x128x128xf32, #tpu.memory_space<vmem>> -> memref<1x128x128xf32, #tpu.memory_space<vmem>>
    %dma_start3A_177 = tpu.memref_squeeze %dma_start3A_176 : memref<1x128x128xf32, #tpu.memory_space<vmem>> -> memref<128x128xf32, #tpu.memory_space<vmem>>
    tpu.enqueue_dma source(%dma_start3A_177 : memref<128x128xf32, #tpu.memory_space<vmem>>) target(%dma_start3A_173 : memref<128x128xf32, #tpu.memory_space<hbm>>) target_semaphore(%arg14 : memref<!tpu.dma_semaphore, #tpu.memory_space<semaphore_mem>>)
    %dma_wait3A_178 = arith.constant 1 : i32
    %dma_wait3A_179 = arith.constant 0 : i32
    %dma_wait3A_180 = arith.constant 0 : i32
    %dma_wait3A_181 = tpu.memref_slice %arg6[%dma_wait3A_178, %dma_wait3A_179, %dma_wait3A_180] : memref<5x128x128xf32, #tpu.memory_space<vmem>> -> memref<1x128x128xf32, #tpu.memory_space<vmem>>
    %dma_wait3A_182 = tpu.memref_squeeze %dma_wait3A_181 : memref<1x128x128xf32, #tpu.memory_space<vmem>> -> memref<128x128xf32, #tpu.memory_space<vmem>>
    %dma_wait3A_183 = arith.constant 0 : i32
    %dma_wait3A_184 = arith.constant 0 : i32
    %dma_wait3A_185 = tpu.memref_slice %arg2[%dma_wait3A_183, %dma_wait3A_184] : memref<100000x128xf32, #tpu.memory_space<hbm>> -> memref<128x128xf32, #tpu.memory_space<hbm>>
    %dma_wait3A_186 = arith.constant 0 : i32
    %dma_wait3A_187 = arith.constant 0 : i32
    %dma_wait3A_188 = tpu.memref_slice %arg6[%dma_wait3A_178, %dma_wait3A_186, %dma_wait3A_187] : memref<5x128x128xf32, #tpu.memory_space<vmem>> -> memref<1x128x128xf32, #tpu.memory_space<vmem>>
    %dma_wait3A_189 = tpu.memref_squeeze %dma_wait3A_188 : memref<1x128x128xf32, #tpu.memory_space<vmem>> -> memref<128x128xf32, #tpu.memory_space<vmem>>
    %dma_wait3A_190 = arith.constant 0 : i32
    %dma_wait3A_191 = arith.constant 0 : i32
    %dma_wait3A_192 = tpu.memref_slice %arg2[%dma_wait3A_190, %dma_wait3A_191] : memref<100000x128xf32, #tpu.memory_space<hbm>> -> memref<128x128xf32, #tpu.memory_space<hbm>>
    tpu.wait_dma2 semaphore(%arg13 : memref<!tpu.dma_semaphore, #tpu.memory_space<semaphore_mem>>) src(%dma_wait3A_192 : memref<128x128xf32, #tpu.memory_space<hbm>>) dst(%dma_wait3A_189 : memref<128x128xf32, #tpu.memory_space<vmem>>)
    %dma_start3A_193 = arith.constant 6 : i32
    %dma_start3A_194 = arith.constant 1 : i32
    %dma_start3A_195 = arith.constant 0 : i32
    %dma_start3A_196 = arith.constant 0 : i32
    %dma_start3A_197 = tpu.memref_slice %arg6[%dma_start3A_194, %dma_start3A_195, %dma_start3A_196] : memref<5x128x128xf32, #tpu.memory_space<vmem>> -> memref<1x128x128xf32, #tpu.memory_space<vmem>>
    %dma_start3A_198 = tpu.memref_squeeze %dma_start3A_197 : memref<1x128x128xf32, #tpu.memory_space<vmem>> -> memref<128x128xf32, #tpu.memory_space<vmem>>
    %dma_start3A_199 = arith.constant 0 : i32
    %dma_start3A_200 = tpu.memref_slice %arg5[%dma_start3A_193, %dma_start3A_199] : memref<50x128xi32, #tpu.memory_space<vmem>> -> memref<1x128xi32, #tpu.memory_space<vmem>>
    %dma_start3A_201 = tpu.memref_squeeze %dma_start3A_200 : memref<1x128xi32, #tpu.memory_space<vmem>> -> memref<128xi32, #tpu.memory_space<vmem>>
    %dma_start3A_202 = arith.constant 0 : i32
    %dma_start3A_203 = arith.constant 0 : i32
    %dma_start3A_204 = tpu.memref_slice %arg2[%dma_start3A_202, %dma_start3A_203] : memref<100000x128xf32, #tpu.memory_space<hbm>> -> memref<100000x128xf32, #tpu.memory_space<hbm>>
    tpu.enqueue_indirect_dma source(%dma_start3A_204 : memref<100000x128xf32, #tpu.memory_space<hbm>>) target(%dma_start3A_198 : memref<128x128xf32, #tpu.memory_space<vmem>>) offsets(%dma_start3A_201 : memref<128xi32, #tpu.memory_space<vmem>>) semaphore(%arg8 : memref<!tpu.dma_semaphore, #tpu.memory_space<semaphore_mem>>)
    %dma_wait3A_205 = arith.constant 3 : i32
    %dma_wait3A_206 = arith.constant 0 : i32
    %dma_wait3A_207 = arith.constant 0 : i32
    %dma_wait3A_208 = tpu.memref_slice %arg6[%dma_wait3A_205, %dma_wait3A_206, %dma_wait3A_207] : memref<5x128x128xf32, #tpu.memory_space<vmem>> -> memref<1x128x128xf32, #tpu.memory_space<vmem>>
    %dma_wait3A_209 = tpu.memref_squeeze %dma_wait3A_208 : memref<1x128x128xf32, #tpu.memory_space<vmem>> -> memref<128x128xf32, #tpu.memory_space<vmem>>
    %dma_wait3A_210 = arith.constant 0 : i32
    %dma_wait3A_211 = arith.constant 0 : i32
    %dma_wait3A_212 = tpu.memref_slice %arg2[%dma_wait3A_210, %dma_wait3A_211] : memref<100000x128xf32, #tpu.memory_space<hbm>> -> memref<128x128xf32, #tpu.memory_space<hbm>>
    %dma_wait3A_213 = arith.constant 0 : i32
    %dma_wait3A_214 = arith.constant 0 : i32
    %dma_wait3A_215 = tpu.memref_slice %arg6[%dma_wait3A_205, %dma_wait3A_213, %dma_wait3A_214] : memref<5x128x128xf32, #tpu.memory_space<vmem>> -> memref<1x128x128xf32, #tpu.memory_space<vmem>>
    %dma_wait3A_216 = tpu.memref_squeeze %dma_wait3A_215 : memref<1x128x128xf32, #tpu.memory_space<vmem>> -> memref<128x128xf32, #tpu.memory_space<vmem>>
    %dma_wait3A_217 = arith.constant 0 : i32
    %dma_wait3A_218 = arith.constant 0 : i32
    %dma_wait3A_219 = tpu.memref_slice %arg2[%dma_wait3A_217, %dma_wait3A_218] : memref<100000x128xf32, #tpu.memory_space<hbm>> -> memref<128x128xf32, #tpu.memory_space<hbm>>
    tpu.wait_dma2 semaphore(%arg10 : memref<!tpu.dma_semaphore, #tpu.memory_space<semaphore_mem>>) src(%dma_wait3A_219 : memref<128x128xf32, #tpu.memory_space<hbm>>) dst(%dma_wait3A_216 : memref<128x128xf32, #tpu.memory_space<vmem>>)
    %add3A_220 = arith.constant 12288 : i32
    %add3A_221 = arith.addi %add3A_220, %mul3A_2 : i32
    %dma_start3A_222 = arith.constant 3 : i32
    %dma_start3A_223 = arith.constant 0 : i32
    %dma_start3A_224 = arith.constant 0 : i32
    %dma_start3A_225 = tpu.memref_slice %arg6[%dma_start3A_222, %dma_start3A_223, %dma_start3A_224] : memref<5x128x128xf32, #tpu.memory_space<vmem>> -> memref<1x128x128xf32, #tpu.memory_space<vmem>>
    %dma_start3A_226 = tpu.memref_squeeze %dma_start3A_225 : memref<1x128x128xf32, #tpu.memory_space<vmem>> -> memref<128x128xf32, #tpu.memory_space<vmem>>
    %dma_start3A_227 = arith.constant 0 : i32
    %dma_start3A_228 = tpu.memref_slice %arg4[%add3A_221, %dma_start3A_227] : memref<204800x128xf32, #tpu.memory_space<hbm>> -> memref<128x128xf32, #tpu.memory_space<hbm>>
    %dma_start3A_229 = arith.constant 0 : i32
    %dma_start3A_230 = tpu.memref_slice %arg4[%add3A_221, %dma_start3A_229] : memref<204800x128xf32, #tpu.memory_space<hbm>> -> memref<128x128xf32, #tpu.memory_space<hbm>>
    %dma_start3A_231 = arith.constant 0 : i32
    %dma_start3A_232 = arith.constant 0 : i32
    %dma_start3A_233 = tpu.memref_slice %arg6[%dma_start3A_222, %dma_start3A_231, %dma_start3A_232] : memref<5x128x128xf32, #tpu.memory_space<vmem>> -> memref<1x128x128xf32, #tpu.memory_space<vmem>>
    %dma_start3A_234 = tpu.memref_squeeze %dma_start3A_233 : memref<1x128x128xf32, #tpu.memory_space<vmem>> -> memref<128x128xf32, #tpu.memory_space<vmem>>
    tpu.enqueue_dma source(%dma_start3A_234 : memref<128x128xf32, #tpu.memory_space<vmem>>) target(%dma_start3A_230 : memref<128x128xf32, #tpu.memory_space<hbm>>) target_semaphore(%arg15 : memref<!tpu.dma_semaphore, #tpu.memory_space<semaphore_mem>>)
    %dma_wait3A_235 = arith.constant 2 : i32
    %dma_wait3A_236 = arith.constant 0 : i32
    %dma_wait3A_237 = arith.constant 0 : i32
    %dma_wait3A_238 = tpu.memref_slice %arg6[%dma_wait3A_235, %dma_wait3A_236, %dma_wait3A_237] : memref<5x128x128xf32, #tpu.memory_space<vmem>> -> memref<1x128x128xf32, #tpu.memory_space<vmem>>
    %dma_wait3A_239 = tpu.memref_squeeze %dma_wait3A_238 : memref<1x128x128xf32, #tpu.memory_space<vmem>> -> memref<128x128xf32, #tpu.memory_space<vmem>>
    %dma_wait3A_240 = arith.constant 0 : i32
    %dma_wait3A_241 = arith.constant 0 : i32
    %dma_wait3A_242 = tpu.memref_slice %arg2[%dma_wait3A_240, %dma_wait3A_241] : memref<100000x128xf32, #tpu.memory_space<hbm>> -> memref<128x128xf32, #tpu.memory_space<hbm>>
    %dma_wait3A_243 = arith.constant 0 : i32
    %dma_wait3A_244 = arith.constant 0 : i32
    %dma_wait3A_245 = tpu.memref_slice %arg6[%dma_wait3A_235, %dma_wait3A_243, %dma_wait3A_244] : memref<5x128x128xf32, #tpu.memory_space<vmem>> -> memref<1x128x128xf32, #tpu.memory_space<vmem>>
    %dma_wait3A_246 = tpu.memref_squeeze %dma_wait3A_245 : memref<1x128x128xf32, #tpu.memory_space<vmem>> -> memref<128x128xf32, #tpu.memory_space<vmem>>
    %dma_wait3A_247 = arith.constant 0 : i32
    %dma_wait3A_248 = arith.constant 0 : i32
    %dma_wait3A_249 = tpu.memref_slice %arg2[%dma_wait3A_247, %dma_wait3A_248] : memref<100000x128xf32, #tpu.memory_space<hbm>> -> memref<128x128xf32, #tpu.memory_space<hbm>>
    tpu.wait_dma2 semaphore(%arg14 : memref<!tpu.dma_semaphore, #tpu.memory_space<semaphore_mem>>) src(%dma_wait3A_249 : memref<128x128xf32, #tpu.memory_space<hbm>>) dst(%dma_wait3A_246 : memref<128x128xf32, #tpu.memory_space<vmem>>)
    %dma_start3A_250 = arith.constant 7 : i32
    %dma_start3A_251 = arith.constant 2 : i32
    %dma_start3A_252 = arith.constant 0 : i32
    %dma_start3A_253 = arith.constant 0 : i32
    %dma_start3A_254 = tpu.memref_slice %arg6[%dma_start3A_251, %dma_start3A_252, %dma_start3A_253] : memref<5x128x128xf32, #tpu.memory_space<vmem>> -> memref<1x128x128xf32, #tpu.memory_space<vmem>>
    %dma_start3A_255 = tpu.memref_squeeze %dma_start3A_254 : memref<1x128x128xf32, #tpu.memory_space<vmem>> -> memref<128x128xf32, #tpu.memory_space<vmem>>
    %dma_start3A_256 = arith.constant 0 : i32
    %dma_start3A_257 = tpu.memref_slice %arg5[%dma_start3A_250, %dma_start3A_256] : memref<50x128xi32, #tpu.memory_space<vmem>> -> memref<1x128xi32, #tpu.memory_space<vmem>>
    %dma_start3A_258 = tpu.memref_squeeze %dma_start3A_257 : memref<1x128xi32, #tpu.memory_space<vmem>> -> memref<128xi32, #tpu.memory_space<vmem>>
    %dma_start3A_259 = arith.constant 0 : i32
    %dma_start3A_260 = arith.constant 0 : i32
    %dma_start3A_261 = tpu.memref_slice %arg2[%dma_start3A_259, %dma_start3A_260] : memref<100000x128xf32, #tpu.memory_space<hbm>> -> memref<100000x128xf32, #tpu.memory_space<hbm>>
    tpu.enqueue_indirect_dma source(%dma_start3A_261 : memref<100000x128xf32, #tpu.memory_space<hbm>>) target(%dma_start3A_255 : memref<128x128xf32, #tpu.memory_space<vmem>>) offsets(%dma_start3A_258 : memref<128xi32, #tpu.memory_space<vmem>>) semaphore(%arg9 : memref<!tpu.dma_semaphore, #tpu.memory_space<semaphore_mem>>)
    %dma_wait3A_262 = arith.constant 4 : i32
    %dma_wait3A_263 = arith.constant 0 : i32
    %dma_wait3A_264 = arith.constant 0 : i32
    %dma_wait3A_265 = tpu.memref_slice %arg6[%dma_wait3A_262, %dma_wait3A_263, %dma_wait3A_264] : memref<5x128x128xf32, #tpu.memory_space<vmem>> -> memref<1x128x128xf32, #tpu.memory_space<vmem>>
    %dma_wait3A_266 = tpu.memref_squeeze %dma_wait3A_265 : memref<1x128x128xf32, #tpu.memory_space<vmem>> -> memref<128x128xf32, #tpu.memory_space<vmem>>
    %dma_wait3A_267 = arith.constant 0 : i32
    %dma_wait3A_268 = arith.constant 0 : i32
    %dma_wait3A_269 = tpu.memref_slice %arg2[%dma_wait3A_267, %dma_wait3A_268] : memref<100000x128xf32, #tpu.memory_space<hbm>> -> memref<128x128xf32, #tpu.memory_space<hbm>>
    %dma_wait3A_270 = arith.constant 0 : i32
    %dma_wait3A_271 = arith.constant 0 : i32
    %dma_wait3A_272 = tpu.memref_slice %arg6[%dma_wait3A_262, %dma_wait3A_270, %dma_wait3A_271] : memref<5x128x128xf32, #tpu.memory_space<vmem>> -> memref<1x128x128xf32, #tpu.memory_space<vmem>>
    %dma_wait3A_273 = tpu.memref_squeeze %dma_wait3A_272 : memref<1x128x128xf32, #tpu.memory_space<vmem>> -> memref<128x128xf32, #tpu.memory_space<vmem>>
    %dma_wait3A_274 = arith.constant 0 : i32
    %dma_wait3A_275 = arith.constant 0 : i32
    %dma_wait3A_276 = tpu.memref_slice %arg2[%dma_wait3A_274, %dma_wait3A_275] : memref<100000x128xf32, #tpu.memory_space<hbm>> -> memref<128x128xf32, #tpu.memory_space<hbm>>
    tpu.wait_dma2 semaphore(%arg11 : memref<!tpu.dma_semaphore, #tpu.memory_space<semaphore_mem>>) src(%dma_wait3A_276 : memref<128x128xf32, #tpu.memory_space<hbm>>) dst(%dma_wait3A_273 : memref<128x128xf32, #tpu.memory_space<vmem>>)
    %add3A_277 = arith.constant 16384 : i32
    %add3A_278 = arith.addi %add3A_277, %mul3A_2 : i32
    %dma_start3A_279 = arith.constant 4 : i32
    %dma_start3A_280 = arith.constant 0 : i32
    %dma_start3A_281 = arith.constant 0 : i32
    %dma_start3A_282 = tpu.memref_slice %arg6[%dma_start3A_279, %dma_start3A_280, %dma_start3A_281] : memref<5x128x128xf32, #tpu.memory_space<vmem>> -> memref<1x128x128xf32, #tpu.memory_space<vmem>>
    %dma_start3A_283 = tpu.memref_squeeze %dma_start3A_282 : memref<1x128x128xf32, #tpu.memory_space<vmem>> -> memref<128x128xf32, #tpu.memory_space<vmem>>
    %dma_start3A_284 = arith.constant 0 : i32
    %dma_start3A_285 = tpu.memref_slice %arg4[%add3A_278, %dma_start3A_284] : memref<204800x128xf32, #tpu.memory_space<hbm>> -> memref<128x128xf32, #tpu.memory_space<hbm>>
    %dma_start3A_286 = arith.constant 0 : i32
    %dma_start3A_287 = tpu.memref_slice %arg4[%add3A_278, %dma_start3A_286] : memref<204800x128xf32, #tpu.memory_space<hbm>> -> memref<128x128xf32, #tpu.memory_space<hbm>>
    %dma_start3A_288 = arith.constant 0 : i32
    %dma_start3A_289 = arith.constant 0 : i32
    %dma_start3A_290 = tpu.memref_slice %arg6[%dma_start3A_279, %dma_start3A_288, %dma_start3A_289] : memref<5x128x128xf32, #tpu.memory_space<vmem>> -> memref<1x128x128xf32, #tpu.memory_space<vmem>>
    %dma_start3A_291 = tpu.memref_squeeze %dma_start3A_290 : memref<1x128x128xf32, #tpu.memory_space<vmem>> -> memref<128x128xf32, #tpu.memory_space<vmem>>
    tpu.enqueue_dma source(%dma_start3A_291 : memref<128x128xf32, #tpu.memory_space<vmem>>) target(%dma_start3A_287 : memref<128x128xf32, #tpu.memory_space<hbm>>) target_semaphore(%arg16 : memref<!tpu.dma_semaphore, #tpu.memory_space<semaphore_mem>>)
    %dma_wait3A_292 = arith.constant 3 : i32
    %dma_wait3A_293 = arith.constant 0 : i32
    %dma_wait3A_294 = arith.constant 0 : i32
    %dma_wait3A_295 = tpu.memref_slice %arg6[%dma_wait3A_292, %dma_wait3A_293, %dma_wait3A_294] : memref<5x128x128xf32, #tpu.memory_space<vmem>> -> memref<1x128x128xf32, #tpu.memory_space<vmem>>
    %dma_wait3A_296 = tpu.memref_squeeze %dma_wait3A_295 : memref<1x128x128xf32, #tpu.memory_space<vmem>> -> memref<128x128xf32, #tpu.memory_space<vmem>>
    %dma_wait3A_297 = arith.constant 0 : i32
    %dma_wait3A_298 = arith.constant 0 : i32
    %dma_wait3A_299 = tpu.memref_slice %arg2[%dma_wait3A_297, %dma_wait3A_298] : memref<100000x128xf32, #tpu.memory_space<hbm>> -> memref<128x128xf32, #tpu.memory_space<hbm>>
    %dma_wait3A_300 = arith.constant 0 : i32
    %dma_wait3A_301 = arith.constant 0 : i32
    %dma_wait3A_302 = tpu.memref_slice %arg6[%dma_wait3A_292, %dma_wait3A_300, %dma_wait3A_301] : memref<5x128x128xf32, #tpu.memory_space<vmem>> -> memref<1x128x128xf32, #tpu.memory_space<vmem>>
    %dma_wait3A_303 = tpu.memref_squeeze %dma_wait3A_302 : memref<1x128x128xf32, #tpu.memory_space<vmem>> -> memref<128x128xf32, #tpu.memory_space<vmem>>
    %dma_wait3A_304 = arith.constant 0 : i32
    %dma_wait3A_305 = arith.constant 0 : i32
    %dma_wait3A_306 = tpu.memref_slice %arg2[%dma_wait3A_304, %dma_wait3A_305] : memref<100000x128xf32, #tpu.memory_space<hbm>> -> memref<128x128xf32, #tpu.memory_space<hbm>>
    tpu.wait_dma2 semaphore(%arg15 : memref<!tpu.dma_semaphore, #tpu.memory_space<semaphore_mem>>) src(%dma_wait3A_306 : memref<128x128xf32, #tpu.memory_space<hbm>>) dst(%dma_wait3A_303 : memref<128x128xf32, #tpu.memory_space<vmem>>)
    %dma_start3A_307 = arith.constant 8 : i32
    %dma_start3A_308 = arith.constant 3 : i32
    %dma_start3A_309 = arith.constant 0 : i32
    %dma_start3A_310 = arith.constant 0 : i32
    %dma_start3A_311 = tpu.memref_slice %arg6[%dma_start3A_308, %dma_start3A_309, %dma_start3A_310] : memref<5x128x128xf32, #tpu.memory_space<vmem>> -> memref<1x128x128xf32, #tpu.memory_space<vmem>>
    %dma_start3A_312 = tpu.memref_squeeze %dma_start3A_311 : memref<1x128x128xf32, #tpu.memory_space<vmem>> -> memref<128x128xf32, #tpu.memory_space<vmem>>
    %dma_start3A_313 = arith.constant 0 : i32
    %dma_start3A_314 = tpu.memref_slice %arg5[%dma_start3A_307, %dma_start3A_313] : memref<50x128xi32, #tpu.memory_space<vmem>> -> memref<1x128xi32, #tpu.memory_space<vmem>>
    %dma_start3A_315 = tpu.memref_squeeze %dma_start3A_314 : memref<1x128xi32, #tpu.memory_space<vmem>> -> memref<128xi32, #tpu.memory_space<vmem>>
    %dma_start3A_316 = arith.constant 0 : i32
    %dma_start3A_317 = arith.constant 0 : i32
    %dma_start3A_318 = tpu.memref_slice %arg2[%dma_start3A_316, %dma_start3A_317] : memref<100000x128xf32, #tpu.memory_space<hbm>> -> memref<100000x128xf32, #tpu.memory_space<hbm>>
    tpu.enqueue_indirect_dma source(%dma_start3A_318 : memref<100000x128xf32, #tpu.memory_space<hbm>>) target(%dma_start3A_312 : memref<128x128xf32, #tpu.memory_space<vmem>>) offsets(%dma_start3A_315 : memref<128xi32, #tpu.memory_space<vmem>>) semaphore(%arg10 : memref<!tpu.dma_semaphore, #tpu.memory_space<semaphore_mem>>)
    %scan3A = arith.constant 0 : i32
    %scan3A_319 = arith.constant 8 : i32
    %scan3A_320 = arith.addi %scan3A, %scan3A_319 : i32
    %scan3A_321 = arith.constant 1 : i32
    scf.for %scan3A_575 = %scan3A to %scan3A_320 step %scan3A_321  : i32 {
      %mul3A_576 = arith.constant 5 : i32
      %mul3A_577 = arith.muli %scan3A_575, %mul3A_576 : i32
      %add3A_578 = arith.constant 5 : i32
      %add3A_579 = arith.addi %add3A_578, %mul3A_577 : i32
      %add3A_580 = arith.constant 0 : i32
      %add3A_581 = arith.addi %add3A_579, %add3A_580 : i32
      %dma_wait3A_582 = arith.constant 0 : i32
      %dma_wait3A_583 = arith.constant 0 : i32
      %dma_wait3A_584 = arith.constant 0 : i32
      %dma_wait3A_585 = tpu.memref_slice %arg6[%dma_wait3A_582, %dma_wait3A_583, %dma_wait3A_584] : memref<5x128x128xf32, #tpu.memory_space<vmem>> -> memref<1x128x128xf32, #tpu.memory_space<vmem>>
      %dma_wait3A_586 = tpu.memref_squeeze %dma_wait3A_585 : memref<1x128x128xf32, #tpu.memory_space<vmem>> -> memref<128x128xf32, #tpu.memory_space<vmem>>
      %dma_wait3A_587 = arith.constant 0 : i32
      %dma_wait3A_588 = arith.constant 0 : i32
      %dma_wait3A_589 = tpu.memref_slice %arg2[%dma_wait3A_587, %dma_wait3A_588] : memref<100000x128xf32, #tpu.memory_space<hbm>> -> memref<128x128xf32, #tpu.memory_space<hbm>>
      %dma_wait3A_590 = arith.constant 0 : i32
      %dma_wait3A_591 = arith.constant 0 : i32
      %dma_wait3A_592 = tpu.memref_slice %arg6[%dma_wait3A_582, %dma_wait3A_590, %dma_wait3A_591] : memref<5x128x128xf32, #tpu.memory_space<vmem>> -> memref<1x128x128xf32, #tpu.memory_space<vmem>>
      %dma_wait3A_593 = tpu.memref_squeeze %dma_wait3A_592 : memref<1x128x128xf32, #tpu.memory_space<vmem>> -> memref<128x128xf32, #tpu.memory_space<vmem>>
      %dma_wait3A_594 = arith.constant 0 : i32
      %dma_wait3A_595 = arith.constant 0 : i32
      %dma_wait3A_596 = tpu.memref_slice %arg2[%dma_wait3A_594, %dma_wait3A_595] : memref<100000x128xf32, #tpu.memory_space<hbm>> -> memref<128x128xf32, #tpu.memory_space<hbm>>
      tpu.wait_dma2 semaphore(%arg7 : memref<!tpu.dma_semaphore, #tpu.memory_space<semaphore_mem>>) src(%dma_wait3A_596 : memref<128x128xf32, #tpu.memory_space<hbm>>) dst(%dma_wait3A_593 : memref<128x128xf32, #tpu.memory_space<vmem>>)
      %mul3A_597 = arith.constant 4096 : i32
      %mul3A_598 = arith.muli %add3A_581, %mul3A_597 : i32
      %add3A_599 = arith.addi %mul3A_598, %mul3A_2 : i32
      %dma_start3A_600 = arith.constant 0 : i32
      %dma_start3A_601 = arith.constant 0 : i32
      %dma_start3A_602 = arith.constant 0 : i32
      %dma_start3A_603 = tpu.memref_slice %arg6[%dma_start3A_600, %dma_start3A_601, %dma_start3A_602] : memref<5x128x128xf32, #tpu.memory_space<vmem>> -> memref<1x128x128xf32, #tpu.memory_space<vmem>>
      %dma_start3A_604 = tpu.memref_squeeze %dma_start3A_603 : memref<1x128x128xf32, #tpu.memory_space<vmem>> -> memref<128x128xf32, #tpu.memory_space<vmem>>
      %dma_start3A_605 = arith.constant 0 : i32
      %dma_start3A_606 = tpu.memref_slice %arg4[%add3A_599, %dma_start3A_605] : memref<204800x128xf32, #tpu.memory_space<hbm>> -> memref<128x128xf32, #tpu.memory_space<hbm>>
      %dma_start3A_607 = arith.constant 0 : i32
      %dma_start3A_608 = tpu.memref_slice %arg4[%add3A_599, %dma_start3A_607] : memref<204800x128xf32, #tpu.memory_space<hbm>> -> memref<128x128xf32, #tpu.memory_space<hbm>>
      %dma_start3A_609 = arith.constant 0 : i32
      %dma_start3A_610 = arith.constant 0 : i32
      %dma_start3A_611 = tpu.memref_slice %arg6[%dma_start3A_600, %dma_start3A_609, %dma_start3A_610] : memref<5x128x128xf32, #tpu.memory_space<vmem>> -> memref<1x128x128xf32, #tpu.memory_space<vmem>>
      %dma_start3A_612 = tpu.memref_squeeze %dma_start3A_611 : memref<1x128x128xf32, #tpu.memory_space<vmem>> -> memref<128x128xf32, #tpu.memory_space<vmem>>
      tpu.enqueue_dma source(%dma_start3A_612 : memref<128x128xf32, #tpu.memory_space<vmem>>) target(%dma_start3A_608 : memref<128x128xf32, #tpu.memory_space<hbm>>) target_semaphore(%arg12 : memref<!tpu.dma_semaphore, #tpu.memory_space<semaphore_mem>>)
      %add3A_613 = arith.constant 4 : i32
      %add3A_614 = arith.addi %add3A_581, %add3A_613 : i32
      %dma_wait3A_615 = arith.constant 4 : i32
      %dma_wait3A_616 = arith.constant 0 : i32
      %dma_wait3A_617 = arith.constant 0 : i32
      %dma_wait3A_618 = tpu.memref_slice %arg6[%dma_wait3A_615, %dma_wait3A_616, %dma_wait3A_617] : memref<5x128x128xf32, #tpu.memory_space<vmem>> -> memref<1x128x128xf32, #tpu.memory_space<vmem>>
      %dma_wait3A_619 = tpu.memref_squeeze %dma_wait3A_618 : memref<1x128x128xf32, #tpu.memory_space<vmem>> -> memref<128x128xf32, #tpu.memory_space<vmem>>
      %dma_wait3A_620 = arith.constant 0 : i32
      %dma_wait3A_621 = arith.constant 0 : i32
      %dma_wait3A_622 = tpu.memref_slice %arg2[%dma_wait3A_620, %dma_wait3A_621] : memref<100000x128xf32, #tpu.memory_space<hbm>> -> memref<128x128xf32, #tpu.memory_space<hbm>>
      %dma_wait3A_623 = arith.constant 0 : i32
      %dma_wait3A_624 = arith.constant 0 : i32
      %dma_wait3A_625 = tpu.memref_slice %arg6[%dma_wait3A_615, %dma_wait3A_623, %dma_wait3A_624] : memref<5x128x128xf32, #tpu.memory_space<vmem>> -> memref<1x128x128xf32, #tpu.memory_space<vmem>>
      %dma_wait3A_626 = tpu.memref_squeeze %dma_wait3A_625 : memref<1x128x128xf32, #tpu.memory_space<vmem>> -> memref<128x128xf32, #tpu.memory_space<vmem>>
      %dma_wait3A_627 = arith.constant 0 : i32
      %dma_wait3A_628 = arith.constant 0 : i32
      %dma_wait3A_629 = tpu.memref_slice %arg2[%dma_wait3A_627, %dma_wait3A_628] : memref<100000x128xf32, #tpu.memory_space<hbm>> -> memref<128x128xf32, #tpu.memory_space<hbm>>
      tpu.wait_dma2 semaphore(%arg16 : memref<!tpu.dma_semaphore, #tpu.memory_space<semaphore_mem>>) src(%dma_wait3A_629 : memref<128x128xf32, #tpu.memory_space<hbm>>) dst(%dma_wait3A_626 : memref<128x128xf32, #tpu.memory_space<vmem>>)
      %dma_start3A_630 = arith.constant 4 : i32
      %dma_start3A_631 = arith.constant 0 : i32
      %dma_start3A_632 = arith.constant 0 : i32
      %dma_start3A_633 = tpu.memref_slice %arg6[%dma_start3A_630, %dma_start3A_631, %dma_start3A_632] : memref<5x128x128xf32, #tpu.memory_space<vmem>> -> memref<1x128x128xf32, #tpu.memory_space<vmem>>
      %dma_start3A_634 = tpu.memref_squeeze %dma_start3A_633 : memref<1x128x128xf32, #tpu.memory_space<vmem>> -> memref<128x128xf32, #tpu.memory_space<vmem>>
      %dma_start3A_635 = arith.constant 0 : i32
      %dma_start3A_636 = tpu.memref_slice %arg5[%add3A_614, %dma_start3A_635] : memref<50x128xi32, #tpu.memory_space<vmem>> -> memref<1x128xi32, #tpu.memory_space<vmem>>
      %dma_start3A_637 = tpu.memref_squeeze %dma_start3A_636 : memref<1x128xi32, #tpu.memory_space<vmem>> -> memref<128xi32, #tpu.memory_space<vmem>>
      %dma_start3A_638 = arith.constant 0 : i32
      %dma_start3A_639 = arith.constant 0 : i32
      %dma_start3A_640 = tpu.memref_slice %arg2[%dma_start3A_638, %dma_start3A_639] : memref<100000x128xf32, #tpu.memory_space<hbm>> -> memref<100000x128xf32, #tpu.memory_space<hbm>>
      tpu.enqueue_indirect_dma source(%dma_start3A_640 : memref<100000x128xf32, #tpu.memory_space<hbm>>) target(%dma_start3A_634 : memref<128x128xf32, #tpu.memory_space<vmem>>) offsets(%dma_start3A_637 : memref<128xi32, #tpu.memory_space<vmem>>) semaphore(%arg11 : memref<!tpu.dma_semaphore, #tpu.memory_space<semaphore_mem>>)
      %add3A_641 = arith.constant 1 : i32
      %add3A_642 = arith.addi %add3A_579, %add3A_641 : i32
      %dma_wait3A_643 = arith.constant 1 : i32
      %dma_wait3A_644 = arith.constant 0 : i32
      %dma_wait3A_645 = arith.constant 0 : i32
      %dma_wait3A_646 = tpu.memref_slice %arg6[%dma_wait3A_643, %dma_wait3A_644, %dma_wait3A_645] : memref<5x128x128xf32, #tpu.memory_space<vmem>> -> memref<1x128x128xf32, #tpu.memory_space<vmem>>
      %dma_wait3A_647 = tpu.memref_squeeze %dma_wait3A_646 : memref<1x128x128xf32, #tpu.memory_space<vmem>> -> memref<128x128xf32, #tpu.memory_space<vmem>>
      %dma_wait3A_648 = arith.constant 0 : i32
      %dma_wait3A_649 = arith.constant 0 : i32
      %dma_wait3A_650 = tpu.memref_slice %arg2[%dma_wait3A_648, %dma_wait3A_649] : memref<100000x128xf32, #tpu.memory_space<hbm>> -> memref<128x128xf32, #tpu.memory_space<hbm>>
      %dma_wait3A_651 = arith.constant 0 : i32
      %dma_wait3A_652 = arith.constant 0 : i32
      %dma_wait3A_653 = tpu.memref_slice %arg6[%dma_wait3A_643, %dma_wait3A_651, %dma_wait3A_652] : memref<5x128x128xf32, #tpu.memory_space<vmem>> -> memref<1x128x128xf32, #tpu.memory_space<vmem>>
      %dma_wait3A_654 = tpu.memref_squeeze %dma_wait3A_653 : memref<1x128x128xf32, #tpu.memory_space<vmem>> -> memref<128x128xf32, #tpu.memory_space<vmem>>
      %dma_wait3A_655 = arith.constant 0 : i32
      %dma_wait3A_656 = arith.constant 0 : i32
      %dma_wait3A_657 = tpu.memref_slice %arg2[%dma_wait3A_655, %dma_wait3A_656] : memref<100000x128xf32, #tpu.memory_space<hbm>> -> memref<128x128xf32, #tpu.memory_space<hbm>>
      tpu.wait_dma2 semaphore(%arg8 : memref<!tpu.dma_semaphore, #tpu.memory_space<semaphore_mem>>) src(%dma_wait3A_657 : memref<128x128xf32, #tpu.memory_space<hbm>>) dst(%dma_wait3A_654 : memref<128x128xf32, #tpu.memory_space<vmem>>)
      %mul3A_658 = arith.constant 4096 : i32
      %mul3A_659 = arith.muli %add3A_642, %mul3A_658 : i32
      %add3A_660 = arith.addi %mul3A_659, %mul3A_2 : i32
      %dma_start3A_661 = arith.constant 1 : i32
      %dma_start3A_662 = arith.constant 0 : i32
      %dma_start3A_663 = arith.constant 0 : i32
      %dma_start3A_664 = tpu.memref_slice %arg6[%dma_start3A_661, %dma_start3A_662, %dma_start3A_663] : memref<5x128x128xf32, #tpu.memory_space<vmem>> -> memref<1x128x128xf32, #tpu.memory_space<vmem>>
      %dma_start3A_665 = tpu.memref_squeeze %dma_start3A_664 : memref<1x128x128xf32, #tpu.memory_space<vmem>> -> memref<128x128xf32, #tpu.memory_space<vmem>>
      %dma_start3A_666 = arith.constant 0 : i32
      %dma_start3A_667 = tpu.memref_slice %arg4[%add3A_660, %dma_start3A_666] : memref<204800x128xf32, #tpu.memory_space<hbm>> -> memref<128x128xf32, #tpu.memory_space<hbm>>
      %dma_start3A_668 = arith.constant 0 : i32
      %dma_start3A_669 = tpu.memref_slice %arg4[%add3A_660, %dma_start3A_668] : memref<204800x128xf32, #tpu.memory_space<hbm>> -> memref<128x128xf32, #tpu.memory_space<hbm>>
      %dma_start3A_670 = arith.constant 0 : i32
      %dma_start3A_671 = arith.constant 0 : i32
      %dma_start3A_672 = tpu.memref_slice %arg6[%dma_start3A_661, %dma_start3A_670, %dma_start3A_671] : memref<5x128x128xf32, #tpu.memory_space<vmem>> -> memref<1x128x128xf32, #tpu.memory_space<vmem>>
      %dma_start3A_673 = tpu.memref_squeeze %dma_start3A_672 : memref<1x128x128xf32, #tpu.memory_space<vmem>> -> memref<128x128xf32, #tpu.memory_space<vmem>>
      tpu.enqueue_dma source(%dma_start3A_673 : memref<128x128xf32, #tpu.memory_space<vmem>>) target(%dma_start3A_669 : memref<128x128xf32, #tpu.memory_space<hbm>>) target_semaphore(%arg13 : memref<!tpu.dma_semaphore, #tpu.memory_space<semaphore_mem>>)
      %add3A_674 = arith.constant 4 : i32
      %add3A_675 = arith.addi %add3A_642, %add3A_674 : i32
      %dma_wait3A_676 = arith.constant 0 : i32
      %dma_wait3A_677 = arith.constant 0 : i32
      %dma_wait3A_678 = arith.constant 0 : i32
      %dma_wait3A_679 = tpu.memref_slice %arg6[%dma_wait3A_676, %dma_wait3A_677, %dma_wait3A_678] : memref<5x128x128xf32, #tpu.memory_space<vmem>> -> memref<1x128x128xf32, #tpu.memory_space<vmem>>
      %dma_wait3A_680 = tpu.memref_squeeze %dma_wait3A_679 : memref<1x128x128xf32, #tpu.memory_space<vmem>> -> memref<128x128xf32, #tpu.memory_space<vmem>>
      %dma_wait3A_681 = arith.constant 0 : i32
      %dma_wait3A_682 = arith.constant 0 : i32
      %dma_wait3A_683 = tpu.memref_slice %arg2[%dma_wait3A_681, %dma_wait3A_682] : memref<100000x128xf32, #tpu.memory_space<hbm>> -> memref<128x128xf32, #tpu.memory_space<hbm>>
      %dma_wait3A_684 = arith.constant 0 : i32
      %dma_wait3A_685 = arith.constant 0 : i32
      %dma_wait3A_686 = tpu.memref_slice %arg6[%dma_wait3A_676, %dma_wait3A_684, %dma_wait3A_685] : memref<5x128x128xf32, #tpu.memory_space<vmem>> -> memref<1x128x128xf32, #tpu.memory_space<vmem>>
      %dma_wait3A_687 = tpu.memref_squeeze %dma_wait3A_686 : memref<1x128x128xf32, #tpu.memory_space<vmem>> -> memref<128x128xf32, #tpu.memory_space<vmem>>
      %dma_wait3A_688 = arith.constant 0 : i32
      %dma_wait3A_689 = arith.constant 0 : i32
      %dma_wait3A_690 = tpu.memref_slice %arg2[%dma_wait3A_688, %dma_wait3A_689] : memref<100000x128xf32, #tpu.memory_space<hbm>> -> memref<128x128xf32, #tpu.memory_space<hbm>>
      tpu.wait_dma2 semaphore(%arg12 : memref<!tpu.dma_semaphore, #tpu.memory_space<semaphore_mem>>) src(%dma_wait3A_690 : memref<128x128xf32, #tpu.memory_space<hbm>>) dst(%dma_wait3A_687 : memref<128x128xf32, #tpu.memory_space<vmem>>)
      %dma_start3A_691 = arith.constant 0 : i32
      %dma_start3A_692 = arith.constant 0 : i32
      %dma_start3A_693 = arith.constant 0 : i32
      %dma_start3A_694 = tpu.memref_slice %arg6[%dma_start3A_691, %dma_start3A_692, %dma_start3A_693] : memref<5x128x128xf32, #tpu.memory_space<vmem>> -> memref<1x128x128xf32, #tpu.memory_space<vmem>>
      %dma_start3A_695 = tpu.memref_squeeze %dma_start3A_694 : memref<1x128x128xf32, #tpu.memory_space<vmem>> -> memref<128x128xf32, #tpu.memory_space<vmem>>
      %dma_start3A_696 = arith.constant 0 : i32
      %dma_start3A_697 = tpu.memref_slice %arg5[%add3A_675, %dma_start3A_696] : memref<50x128xi32, #tpu.memory_space<vmem>> -> memref<1x128xi32, #tpu.memory_space<vmem>>
      %dma_start3A_698 = tpu.memref_squeeze %dma_start3A_697 : memref<1x128xi32, #tpu.memory_space<vmem>> -> memref<128xi32, #tpu.memory_space<vmem>>
      %dma_start3A_699 = arith.constant 0 : i32
      %dma_start3A_700 = arith.constant 0 : i32
      %dma_start3A_701 = tpu.memref_slice %arg2[%dma_start3A_699, %dma_start3A_700] : memref<100000x128xf32, #tpu.memory_space<hbm>> -> memref<100000x128xf32, #tpu.memory_space<hbm>>
      tpu.enqueue_indirect_dma source(%dma_start3A_701 : memref<100000x128xf32, #tpu.memory_space<hbm>>) target(%dma_start3A_695 : memref<128x128xf32, #tpu.memory_space<vmem>>) offsets(%dma_start3A_698 : memref<128xi32, #tpu.memory_space<vmem>>) semaphore(%arg7 : memref<!tpu.dma_semaphore, #tpu.memory_space<semaphore_mem>>)
      %add3A_702 = arith.constant 2 : i32
      %add3A_703 = arith.addi %add3A_579, %add3A_702 : i32
      %dma_wait3A_704 = arith.constant 2 : i32
      %dma_wait3A_705 = arith.constant 0 : i32
      %dma_wait3A_706 = arith.constant 0 : i32
      %dma_wait3A_707 = tpu.memref_slice %arg6[%dma_wait3A_704, %dma_wait3A_705, %dma_wait3A_706] : memref<5x128x128xf32, #tpu.memory_space<vmem>> -> memref<1x128x128xf32, #tpu.memory_space<vmem>>
      %dma_wait3A_708 = tpu.memref_squeeze %dma_wait3A_707 : memref<1x128x128xf32, #tpu.memory_space<vmem>> -> memref<128x128xf32, #tpu.memory_space<vmem>>
      %dma_wait3A_709 = arith.constant 0 : i32
      %dma_wait3A_710 = arith.constant 0 : i32
      %dma_wait3A_711 = tpu.memref_slice %arg2[%dma_wait3A_709, %dma_wait3A_710] : memref<100000x128xf32, #tpu.memory_space<hbm>> -> memref<128x128xf32, #tpu.memory_space<hbm>>
      %dma_wait3A_712 = arith.constant 0 : i32
      %dma_wait3A_713 = arith.constant 0 : i32
      %dma_wait3A_714 = tpu.memref_slice %arg6[%dma_wait3A_704, %dma_wait3A_712, %dma_wait3A_713] : memref<5x128x128xf32, #tpu.memory_space<vmem>> -> memref<1x128x128xf32, #tpu.memory_space<vmem>>
      %dma_wait3A_715 = tpu.memref_squeeze %dma_wait3A_714 : memref<1x128x128xf32, #tpu.memory_space<vmem>> -> memref<128x128xf32, #tpu.memory_space<vmem>>
      %dma_wait3A_716 = arith.constant 0 : i32
      %dma_wait3A_717 = arith.constant 0 : i32
      %dma_wait3A_718 = tpu.memref_slice %arg2[%dma_wait3A_716, %dma_wait3A_717] : memref<100000x128xf32, #tpu.memory_space<hbm>> -> memref<128x128xf32, #tpu.memory_space<hbm>>
      tpu.wait_dma2 semaphore(%arg9 : memref<!tpu.dma_semaphore, #tpu.memory_space<semaphore_mem>>) src(%dma_wait3A_718 : memref<128x128xf32, #tpu.memory_space<hbm>>) dst(%dma_wait3A_715 : memref<128x128xf32, #tpu.memory_space<vmem>>)
      %mul3A_719 = arith.constant 4096 : i32
      %mul3A_720 = arith.muli %add3A_703, %mul3A_719 : i32
      %add3A_721 = arith.addi %mul3A_720, %mul3A_2 : i32
      %dma_start3A_722 = arith.constant 2 : i32
      %dma_start3A_723 = arith.constant 0 : i32
      %dma_start3A_724 = arith.constant 0 : i32
      %dma_start3A_725 = tpu.memref_slice %arg6[%dma_start3A_722, %dma_start3A_723, %dma_start3A_724] : memref<5x128x128xf32, #tpu.memory_space<vmem>> -> memref<1x128x128xf32, #tpu.memory_space<vmem>>
      %dma_start3A_726 = tpu.memref_squeeze %dma_start3A_725 : memref<1x128x128xf32, #tpu.memory_space<vmem>> -> memref<128x128xf32, #tpu.memory_space<vmem>>
      %dma_start3A_727 = arith.constant 0 : i32
      %dma_start3A_728 = tpu.memref_slice %arg4[%add3A_721, %dma_start3A_727] : memref<204800x128xf32, #tpu.memory_space<hbm>> -> memref<128x128xf32, #tpu.memory_space<hbm>>
      %dma_start3A_729 = arith.constant 0 : i32
      %dma_start3A_730 = tpu.memref_slice %arg4[%add3A_721, %dma_start3A_729] : memref<204800x128xf32, #tpu.memory_space<hbm>> -> memref<128x128xf32, #tpu.memory_space<hbm>>
      %dma_start3A_731 = arith.constant 0 : i32
      %dma_start3A_732 = arith.constant 0 : i32
      %dma_start3A_733 = tpu.memref_slice %arg6[%dma_start3A_722, %dma_start3A_731, %dma_start3A_732] : memref<5x128x128xf32, #tpu.memory_space<vmem>> -> memref<1x128x128xf32, #tpu.memory_space<vmem>>
      %dma_start3A_734 = tpu.memref_squeeze %dma_start3A_733 : memref<1x128x128xf32, #tpu.memory_space<vmem>> -> memref<128x128xf32, #tpu.memory_space<vmem>>
      tpu.enqueue_dma source(%dma_start3A_734 : memref<128x128xf32, #tpu.memory_space<vmem>>) target(%dma_start3A_730 : memref<128x128xf32, #tpu.memory_space<hbm>>) target_semaphore(%arg14 : memref<!tpu.dma_semaphore, #tpu.memory_space<semaphore_mem>>)
      %add3A_735 = arith.constant 4 : i32
      %add3A_736 = arith.addi %add3A_703, %add3A_735 : i32
      %dma_wait3A_737 = arith.constant 1 : i32
      %dma_wait3A_738 = arith.constant 0 : i32
      %dma_wait3A_739 = arith.constant 0 : i32
      %dma_wait3A_740 = tpu.memref_slice %arg6[%dma_wait3A_737, %dma_wait3A_738, %dma_wait3A_739] : memref<5x128x128xf32, #tpu.memory_space<vmem>> -> memref<1x128x128xf32, #tpu.memory_space<vmem>>
      %dma_wait3A_741 = tpu.memref_squeeze %dma_wait3A_740 : memref<1x128x128xf32, #tpu.memory_space<vmem>> -> memref<128x128xf32, #tpu.memory_space<vmem>>
      %dma_wait3A_742 = arith.constant 0 : i32
      %dma_wait3A_743 = arith.constant 0 : i32
      %dma_wait3A_744 = tpu.memref_slice %arg2[%dma_wait3A_742, %dma_wait3A_743] : memref<100000x128xf32, #tpu.memory_space<hbm>> -> memref<128x128xf32, #tpu.memory_space<hbm>>
      %dma_wait3A_745 = arith.constant 0 : i32
      %dma_wait3A_746 = arith.constant 0 : i32
      %dma_wait3A_747 = tpu.memref_slice %arg6[%dma_wait3A_737, %dma_wait3A_745, %dma_wait3A_746] : memref<5x128x128xf32, #tpu.memory_space<vmem>> -> memref<1x128x128xf32, #tpu.memory_space<vmem>>
      %dma_wait3A_748 = tpu.memref_squeeze %dma_wait3A_747 : memref<1x128x128xf32, #tpu.memory_space<vmem>> -> memref<128x128xf32, #tpu.memory_space<vmem>>
      %dma_wait3A_749 = arith.constant 0 : i32
      %dma_wait3A_750 = arith.constant 0 : i32
      %dma_wait3A_751 = tpu.memref_slice %arg2[%dma_wait3A_749, %dma_wait3A_750] : memref<100000x128xf32, #tpu.memory_space<hbm>> -> memref<128x128xf32, #tpu.memory_space<hbm>>
      tpu.wait_dma2 semaphore(%arg13 : memref<!tpu.dma_semaphore, #tpu.memory_space<semaphore_mem>>) src(%dma_wait3A_751 : memref<128x128xf32, #tpu.memory_space<hbm>>) dst(%dma_wait3A_748 : memref<128x128xf32, #tpu.memory_space<vmem>>)
      %dma_start3A_752 = arith.constant 1 : i32
      %dma_start3A_753 = arith.constant 0 : i32
      %dma_start3A_754 = arith.constant 0 : i32
      %dma_start3A_755 = tpu.memref_slice %arg6[%dma_start3A_752, %dma_start3A_753, %dma_start3A_754] : memref<5x128x128xf32, #tpu.memory_space<vmem>> -> memref<1x128x128xf32, #tpu.memory_space<vmem>>
      %dma_start3A_756 = tpu.memref_squeeze %dma_start3A_755 : memref<1x128x128xf32, #tpu.memory_space<vmem>> -> memref<128x128xf32, #tpu.memory_space<vmem>>
      %dma_start3A_757 = arith.constant 0 : i32
      %dma_start3A_758 = tpu.memref_slice %arg5[%add3A_736, %dma_start3A_757] : memref<50x128xi32, #tpu.memory_space<vmem>> -> memref<1x128xi32, #tpu.memory_space<vmem>>
      %dma_start3A_759 = tpu.memref_squeeze %dma_start3A_758 : memref<1x128xi32, #tpu.memory_space<vmem>> -> memref<128xi32, #tpu.memory_space<vmem>>
      %dma_start3A_760 = arith.constant 0 : i32
      %dma_start3A_761 = arith.constant 0 : i32
      %dma_start3A_762 = tpu.memref_slice %arg2[%dma_start3A_760, %dma_start3A_761] : memref<100000x128xf32, #tpu.memory_space<hbm>> -> memref<100000x128xf32, #tpu.memory_space<hbm>>
      tpu.enqueue_indirect_dma source(%dma_start3A_762 : memref<100000x128xf32, #tpu.memory_space<hbm>>) target(%dma_start3A_756 : memref<128x128xf32, #tpu.memory_space<vmem>>) offsets(%dma_start3A_759 : memref<128xi32, #tpu.memory_space<vmem>>) semaphore(%arg8 : memref<!tpu.dma_semaphore, #tpu.memory_space<semaphore_mem>>)
      %add3A_763 = arith.constant 3 : i32
      %add3A_764 = arith.addi %add3A_579, %add3A_763 : i32
      %dma_wait3A_765 = arith.constant 3 : i32
      %dma_wait3A_766 = arith.constant 0 : i32
      %dma_wait3A_767 = arith.constant 0 : i32
      %dma_wait3A_768 = tpu.memref_slice %arg6[%dma_wait3A_765, %dma_wait3A_766, %dma_wait3A_767] : memref<5x128x128xf32, #tpu.memory_space<vmem>> -> memref<1x128x128xf32, #tpu.memory_space<vmem>>
      %dma_wait3A_769 = tpu.memref_squeeze %dma_wait3A_768 : memref<1x128x128xf32, #tpu.memory_space<vmem>> -> memref<128x128xf32, #tpu.memory_space<vmem>>
      %dma_wait3A_770 = arith.constant 0 : i32
      %dma_wait3A_771 = arith.constant 0 : i32
      %dma_wait3A_772 = tpu.memref_slice %arg2[%dma_wait3A_770, %dma_wait3A_771] : memref<100000x128xf32, #tpu.memory_space<hbm>> -> memref<128x128xf32, #tpu.memory_space<hbm>>
      %dma_wait3A_773 = arith.constant 0 : i32
      %dma_wait3A_774 = arith.constant 0 : i32
      %dma_wait3A_775 = tpu.memref_slice %arg6[%dma_wait3A_765, %dma_wait3A_773, %dma_wait3A_774] : memref<5x128x128xf32, #tpu.memory_space<vmem>> -> memref<1x128x128xf32, #tpu.memory_space<vmem>>
      %dma_wait3A_776 = tpu.memref_squeeze %dma_wait3A_775 : memref<1x128x128xf32, #tpu.memory_space<vmem>> -> memref<128x128xf32, #tpu.memory_space<vmem>>
      %dma_wait3A_777 = arith.constant 0 : i32
      %dma_wait3A_778 = arith.constant 0 : i32
      %dma_wait3A_779 = tpu.memref_slice %arg2[%dma_wait3A_777, %dma_wait3A_778] : memref<100000x128xf32, #tpu.memory_space<hbm>> -> memref<128x128xf32, #tpu.memory_space<hbm>>
      tpu.wait_dma2 semaphore(%arg10 : memref<!tpu.dma_semaphore, #tpu.memory_space<semaphore_mem>>) src(%dma_wait3A_779 : memref<128x128xf32, #tpu.memory_space<hbm>>) dst(%dma_wait3A_776 : memref<128x128xf32, #tpu.memory_space<vmem>>)
      %mul3A_780 = arith.constant 4096 : i32
      %mul3A_781 = arith.muli %add3A_764, %mul3A_780 : i32
      %add3A_782 = arith.addi %mul3A_781, %mul3A_2 : i32
      %dma_start3A_783 = arith.constant 3 : i32
      %dma_start3A_784 = arith.constant 0 : i32
      %dma_start3A_785 = arith.constant 0 : i32
      %dma_start3A_786 = tpu.memref_slice %arg6[%dma_start3A_783, %dma_start3A_784, %dma_start3A_785] : memref<5x128x128xf32, #tpu.memory_space<vmem>> -> memref<1x128x128xf32, #tpu.memory_space<vmem>>
      %dma_start3A_787 = tpu.memref_squeeze %dma_start3A_786 : memref<1x128x128xf32, #tpu.memory_space<vmem>> -> memref<128x128xf32, #tpu.memory_space<vmem>>
      %dma_start3A_788 = arith.constant 0 : i32
      %dma_start3A_789 = tpu.memref_slice %arg4[%add3A_782, %dma_start3A_788] : memref<204800x128xf32, #tpu.memory_space<hbm>> -> memref<128x128xf32, #tpu.memory_space<hbm>>
      %dma_start3A_790 = arith.constant 0 : i32
      %dma_start3A_791 = tpu.memref_slice %arg4[%add3A_782, %dma_start3A_790] : memref<204800x128xf32, #tpu.memory_space<hbm>> -> memref<128x128xf32, #tpu.memory_space<hbm>>
      %dma_start3A_792 = arith.constant 0 : i32
      %dma_start3A_793 = arith.constant 0 : i32
      %dma_start3A_794 = tpu.memref_slice %arg6[%dma_start3A_783, %dma_start3A_792, %dma_start3A_793] : memref<5x128x128xf32, #tpu.memory_space<vmem>> -> memref<1x128x128xf32, #tpu.memory_space<vmem>>
      %dma_start3A_795 = tpu.memref_squeeze %dma_start3A_794 : memref<1x128x128xf32, #tpu.memory_space<vmem>> -> memref<128x128xf32, #tpu.memory_space<vmem>>
      tpu.enqueue_dma source(%dma_start3A_795 : memref<128x128xf32, #tpu.memory_space<vmem>>) target(%dma_start3A_791 : memref<128x128xf32, #tpu.memory_space<hbm>>) target_semaphore(%arg15 : memref<!tpu.dma_semaphore, #tpu.memory_space<semaphore_mem>>)
      %add3A_796 = arith.constant 4 : i32
      %add3A_797 = arith.addi %add3A_764, %add3A_796 : i32
      %dma_wait3A_798 = arith.constant 2 : i32
      %dma_wait3A_799 = arith.constant 0 : i32
      %dma_wait3A_800 = arith.constant 0 : i32
      %dma_wait3A_801 = tpu.memref_slice %arg6[%dma_wait3A_798, %dma_wait3A_799, %dma_wait3A_800] : memref<5x128x128xf32, #tpu.memory_space<vmem>> -> memref<1x128x128xf32, #tpu.memory_space<vmem>>
      %dma_wait3A_802 = tpu.memref_squeeze %dma_wait3A_801 : memref<1x128x128xf32, #tpu.memory_space<vmem>> -> memref<128x128xf32, #tpu.memory_space<vmem>>
      %dma_wait3A_803 = arith.constant 0 : i32
      %dma_wait3A_804 = arith.constant 0 : i32
      %dma_wait3A_805 = tpu.memref_slice %arg2[%dma_wait3A_803, %dma_wait3A_804] : memref<100000x128xf32, #tpu.memory_space<hbm>> -> memref<128x128xf32, #tpu.memory_space<hbm>>
      %dma_wait3A_806 = arith.constant 0 : i32
      %dma_wait3A_807 = arith.constant 0 : i32
      %dma_wait3A_808 = tpu.memref_slice %arg6[%dma_wait3A_798, %dma_wait3A_806, %dma_wait3A_807] : memref<5x128x128xf32, #tpu.memory_space<vmem>> -> memref<1x128x128xf32, #tpu.memory_space<vmem>>
      %dma_wait3A_809 = tpu.memref_squeeze %dma_wait3A_808 : memref<1x128x128xf32, #tpu.memory_space<vmem>> -> memref<128x128xf32, #tpu.memory_space<vmem>>
      %dma_wait3A_810 = arith.constant 0 : i32
      %dma_wait3A_811 = arith.constant 0 : i32
      %dma_wait3A_812 = tpu.memref_slice %arg2[%dma_wait3A_810, %dma_wait3A_811] : memref<100000x128xf32, #tpu.memory_space<hbm>> -> memref<128x128xf32, #tpu.memory_space<hbm>>
      tpu.wait_dma2 semaphore(%arg14 : memref<!tpu.dma_semaphore, #tpu.memory_space<semaphore_mem>>) src(%dma_wait3A_812 : memref<128x128xf32, #tpu.memory_space<hbm>>) dst(%dma_wait3A_809 : memref<128x128xf32, #tpu.memory_space<vmem>>)
      %dma_start3A_813 = arith.constant 2 : i32
      %dma_start3A_814 = arith.constant 0 : i32
      %dma_start3A_815 = arith.constant 0 : i32
      %dma_start3A_816 = tpu.memref_slice %arg6[%dma_start3A_813, %dma_start3A_814, %dma_start3A_815] : memref<5x128x128xf32, #tpu.memory_space<vmem>> -> memref<1x128x128xf32, #tpu.memory_space<vmem>>
      %dma_start3A_817 = tpu.memref_squeeze %dma_start3A_816 : memref<1x128x128xf32, #tpu.memory_space<vmem>> -> memref<128x128xf32, #tpu.memory_space<vmem>>
      %dma_start3A_818 = arith.constant 0 : i32
      %dma_start3A_819 = tpu.memref_slice %arg5[%add3A_797, %dma_start3A_818] : memref<50x128xi32, #tpu.memory_space<vmem>> -> memref<1x128xi32, #tpu.memory_space<vmem>>
      %dma_start3A_820 = tpu.memref_squeeze %dma_start3A_819 : memref<1x128xi32, #tpu.memory_space<vmem>> -> memref<128xi32, #tpu.memory_space<vmem>>
      %dma_start3A_821 = arith.constant 0 : i32
      %dma_start3A_822 = arith.constant 0 : i32
      %dma_start3A_823 = tpu.memref_slice %arg2[%dma_start3A_821, %dma_start3A_822] : memref<100000x128xf32, #tpu.memory_space<hbm>> -> memref<100000x128xf32, #tpu.memory_space<hbm>>
      tpu.enqueue_indirect_dma source(%dma_start3A_823 : memref<100000x128xf32, #tpu.memory_space<hbm>>) target(%dma_start3A_817 : memref<128x128xf32, #tpu.memory_space<vmem>>) offsets(%dma_start3A_820 : memref<128xi32, #tpu.memory_space<vmem>>) semaphore(%arg9 : memref<!tpu.dma_semaphore, #tpu.memory_space<semaphore_mem>>)
      %add3A_824 = arith.constant 4 : i32
      %add3A_825 = arith.addi %add3A_579, %add3A_824 : i32
      %dma_wait3A_826 = arith.constant 4 : i32
      %dma_wait3A_827 = arith.constant 0 : i32
      %dma_wait3A_828 = arith.constant 0 : i32
      %dma_wait3A_829 = tpu.memref_slice %arg6[%dma_wait3A_826, %dma_wait3A_827, %dma_wait3A_828] : memref<5x128x128xf32, #tpu.memory_space<vmem>> -> memref<1x128x128xf32, #tpu.memory_space<vmem>>
      %dma_wait3A_830 = tpu.memref_squeeze %dma_wait3A_829 : memref<1x128x128xf32, #tpu.memory_space<vmem>> -> memref<128x128xf32, #tpu.memory_space<vmem>>
      %dma_wait3A_831 = arith.constant 0 : i32
      %dma_wait3A_832 = arith.constant 0 : i32
      %dma_wait3A_833 = tpu.memref_slice %arg2[%dma_wait3A_831, %dma_wait3A_832] : memref<100000x128xf32, #tpu.memory_space<hbm>> -> memref<128x128xf32, #tpu.memory_space<hbm>>
      %dma_wait3A_834 = arith.constant 0 : i32
      %dma_wait3A_835 = arith.constant 0 : i32
      %dma_wait3A_836 = tpu.memref_slice %arg6[%dma_wait3A_826, %dma_wait3A_834, %dma_wait3A_835] : memref<5x128x128xf32, #tpu.memory_space<vmem>> -> memref<1x128x128xf32, #tpu.memory_space<vmem>>
      %dma_wait3A_837 = tpu.memref_squeeze %dma_wait3A_836 : memref<1x128x128xf32, #tpu.memory_space<vmem>> -> memref<128x128xf32, #tpu.memory_space<vmem>>
      %dma_wait3A_838 = arith.constant 0 : i32
      %dma_wait3A_839 = arith.constant 0 : i32
      %dma_wait3A_840 = tpu.memref_slice %arg2[%dma_wait3A_838, %dma_wait3A_839] : memref<100000x128xf32, #tpu.memory_space<hbm>> -> memref<128x128xf32, #tpu.memory_space<hbm>>
      tpu.wait_dma2 semaphore(%arg11 : memref<!tpu.dma_semaphore, #tpu.memory_space<semaphore_mem>>) src(%dma_wait3A_840 : memref<128x128xf32, #tpu.memory_space<hbm>>) dst(%dma_wait3A_837 : memref<128x128xf32, #tpu.memory_space<vmem>>)
      %mul3A_841 = arith.constant 4096 : i32
      %mul3A_842 = arith.muli %add3A_825, %mul3A_841 : i32
      %add3A_843 = arith.addi %mul3A_842, %mul3A_2 : i32
      %dma_start3A_844 = arith.constant 4 : i32
      %dma_start3A_845 = arith.constant 0 : i32
      %dma_start3A_846 = arith.constant 0 : i32
      %dma_start3A_847 = tpu.memref_slice %arg6[%dma_start3A_844, %dma_start3A_845, %dma_start3A_846] : memref<5x128x128xf32, #tpu.memory_space<vmem>> -> memref<1x128x128xf32, #tpu.memory_space<vmem>>
      %dma_start3A_848 = tpu.memref_squeeze %dma_start3A_847 : memref<1x128x128xf32, #tpu.memory_space<vmem>> -> memref<128x128xf32, #tpu.memory_space<vmem>>
      %dma_start3A_849 = arith.constant 0 : i32
      %dma_start3A_850 = tpu.memref_slice %arg4[%add3A_843, %dma_start3A_849] : memref<204800x128xf32, #tpu.memory_space<hbm>> -> memref<128x128xf32, #tpu.memory_space<hbm>>
      %dma_start3A_851 = arith.constant 0 : i32
      %dma_start3A_852 = tpu.memref_slice %arg4[%add3A_843, %dma_start3A_851] : memref<204800x128xf32, #tpu.memory_space<hbm>> -> memref<128x128xf32, #tpu.memory_space<hbm>>
      %dma_start3A_853 = arith.constant 0 : i32
      %dma_start3A_854 = arith.constant 0 : i32
      %dma_start3A_855 = tpu.memref_slice %arg6[%dma_start3A_844, %dma_start3A_853, %dma_start3A_854] : memref<5x128x128xf32, #tpu.memory_space<vmem>> -> memref<1x128x128xf32, #tpu.memory_space<vmem>>
      %dma_start3A_856 = tpu.memref_squeeze %dma_start3A_855 : memref<1x128x128xf32, #tpu.memory_space<vmem>> -> memref<128x128xf32, #tpu.memory_space<vmem>>
      tpu.enqueue_dma source(%dma_start3A_856 : memref<128x128xf32, #tpu.memory_space<vmem>>) target(%dma_start3A_852 : memref<128x128xf32, #tpu.memory_space<hbm>>) target_semaphore(%arg16 : memref<!tpu.dma_semaphore, #tpu.memory_space<semaphore_mem>>)
      %add3A_857 = arith.constant 4 : i32
      %add3A_858 = arith.addi %add3A_825, %add3A_857 : i32
      %dma_wait3A_859 = arith.constant 3 : i32
      %dma_wait3A_860 = arith.constant 0 : i32
      %dma_wait3A_861 = arith.constant 0 : i32
      %dma_wait3A_862 = tpu.memref_slice %arg6[%dma_wait3A_859, %dma_wait3A_860, %dma_wait3A_861] : memref<5x128x128xf32, #tpu.memory_space<vmem>> -> memref<1x128x128xf32, #tpu.memory_space<vmem>>
      %dma_wait3A_863 = tpu.memref_squeeze %dma_wait3A_862 : memref<1x128x128xf32, #tpu.memory_space<vmem>> -> memref<128x128xf32, #tpu.memory_space<vmem>>
      %dma_wait3A_864 = arith.constant 0 : i32
      %dma_wait3A_865 = arith.constant 0 : i32
      %dma_wait3A_866 = tpu.memref_slice %arg2[%dma_wait3A_864, %dma_wait3A_865] : memref<100000x128xf32, #tpu.memory_space<hbm>> -> memref<128x128xf32, #tpu.memory_space<hbm>>
      %dma_wait3A_867 = arith.constant 0 : i32
      %dma_wait3A_868 = arith.constant 0 : i32
      %dma_wait3A_869 = tpu.memref_slice %arg6[%dma_wait3A_859, %dma_wait3A_867, %dma_wait3A_868] : memref<5x128x128xf32, #tpu.memory_space<vmem>> -> memref<1x128x128xf32, #tpu.memory_space<vmem>>
      %dma_wait3A_870 = tpu.memref_squeeze %dma_wait3A_869 : memref<1x128x128xf32, #tpu.memory_space<vmem>> -> memref<128x128xf32, #tpu.memory_space<vmem>>
      %dma_wait3A_871 = arith.constant 0 : i32
      %dma_wait3A_872 = arith.constant 0 : i32
      %dma_wait3A_873 = tpu.memref_slice %arg2[%dma_wait3A_871, %dma_wait3A_872] : memref<100000x128xf32, #tpu.memory_space<hbm>> -> memref<128x128xf32, #tpu.memory_space<hbm>>
      tpu.wait_dma2 semaphore(%arg15 : memref<!tpu.dma_semaphore, #tpu.memory_space<semaphore_mem>>) src(%dma_wait3A_873 : memref<128x128xf32, #tpu.memory_space<hbm>>) dst(%dma_wait3A_870 : memref<128x128xf32, #tpu.memory_space<vmem>>)
      %dma_start3A_874 = arith.constant 3 : i32
      %dma_start3A_875 = arith.constant 0 : i32
      %dma_start3A_876 = arith.constant 0 : i32
      %dma_start3A_877 = tpu.memref_slice %arg6[%dma_start3A_874, %dma_start3A_875, %dma_start3A_876] : memref<5x128x128xf32, #tpu.memory_space<vmem>> -> memref<1x128x128xf32, #tpu.memory_space<vmem>>
      %dma_start3A_878 = tpu.memref_squeeze %dma_start3A_877 : memref<1x128x128xf32, #tpu.memory_space<vmem>> -> memref<128x128xf32, #tpu.memory_space<vmem>>
      %dma_start3A_879 = arith.constant 0 : i32
      %dma_start3A_880 = tpu.memref_slice %arg5[%add3A_858, %dma_start3A_879] : memref<50x128xi32, #tpu.memory_space<vmem>> -> memref<1x128xi32, #tpu.memory_space<vmem>>
      %dma_start3A_881 = tpu.memref_squeeze %dma_start3A_880 : memref<1x128xi32, #tpu.memory_space<vmem>> -> memref<128xi32, #tpu.memory_space<vmem>>
      %dma_start3A_882 = arith.constant 0 : i32
      %dma_start3A_883 = arith.constant 0 : i32
      %dma_start3A_884 = tpu.memref_slice %arg2[%dma_start3A_882, %dma_start3A_883] : memref<100000x128xf32, #tpu.memory_space<hbm>> -> memref<100000x128xf32, #tpu.memory_space<hbm>>
      tpu.enqueue_indirect_dma source(%dma_start3A_884 : memref<100000x128xf32, #tpu.memory_space<hbm>>) target(%dma_start3A_878 : memref<128x128xf32, #tpu.memory_space<vmem>>) offsets(%dma_start3A_881 : memref<128xi32, #tpu.memory_space<vmem>>) semaphore(%arg10 : memref<!tpu.dma_semaphore, #tpu.memory_space<semaphore_mem>>)
    }
    %scan3A_322 = arith.constant 8 : i32
    %dma_wait3A_323 = arith.constant 0 : i32
    %dma_wait3A_324 = arith.constant 0 : i32
    %dma_wait3A_325 = arith.constant 0 : i32
    %dma_wait3A_326 = tpu.memref_slice %arg6[%dma_wait3A_323, %dma_wait3A_324, %dma_wait3A_325] : memref<5x128x128xf32, #tpu.memory_space<vmem>> -> memref<1x128x128xf32, #tpu.memory_space<vmem>>
    %dma_wait3A_327 = tpu.memref_squeeze %dma_wait3A_326 : memref<1x128x128xf32, #tpu.memory_space<vmem>> -> memref<128x128xf32, #tpu.memory_space<vmem>>
    %dma_wait3A_328 = arith.constant 0 : i32
    %dma_wait3A_329 = arith.constant 0 : i32
    %dma_wait3A_330 = tpu.memref_slice %arg2[%dma_wait3A_328, %dma_wait3A_329] : memref<100000x128xf32, #tpu.memory_space<hbm>> -> memref<128x128xf32, #tpu.memory_space<hbm>>
    %dma_wait3A_331 = arith.constant 0 : i32
    %dma_wait3A_332 = arith.constant 0 : i32
    %dma_wait3A_333 = tpu.memref_slice %arg6[%dma_wait3A_323, %dma_wait3A_331, %dma_wait3A_332] : memref<5x128x128xf32, #tpu.memory_space<vmem>> -> memref<1x128x128xf32, #tpu.memory_space<vmem>>
    %dma_wait3A_334 = tpu.memref_squeeze %dma_wait3A_333 : memref<1x128x128xf32, #tpu.memory_space<vmem>> -> memref<128x128xf32, #tpu.memory_space<vmem>>
    %dma_wait3A_335 = arith.constant 0 : i32
    %dma_wait3A_336 = arith.constant 0 : i32
    %dma_wait3A_337 = tpu.memref_slice %arg2[%dma_wait3A_335, %dma_wait3A_336] : memref<100000x128xf32, #tpu.memory_space<hbm>> -> memref<128x128xf32, #tpu.memory_space<hbm>>
    tpu.wait_dma2 semaphore(%arg7 : memref<!tpu.dma_semaphore, #tpu.memory_space<semaphore_mem>>) src(%dma_wait3A_337 : memref<128x128xf32, #tpu.memory_space<hbm>>) dst(%dma_wait3A_334 : memref<128x128xf32, #tpu.memory_space<vmem>>)
    %add3A_338 = arith.constant 184320 : i32
    %add3A_339 = arith.addi %add3A_338, %mul3A_2 : i32
    %dma_start3A_340 = arith.constant 0 : i32
    %dma_start3A_341 = arith.constant 0 : i32
    %dma_start3A_342 = arith.constant 0 : i32
    %dma_start3A_343 = tpu.memref_slice %arg6[%dma_start3A_340, %dma_start3A_341, %dma_start3A_342] : memref<5x128x128xf32, #tpu.memory_space<vmem>> -> memref<1x128x128xf32, #tpu.memory_space<vmem>>
    %dma_start3A_344 = tpu.memref_squeeze %dma_start3A_343 : memref<1x128x128xf32, #tpu.memory_space<vmem>> -> memref<128x128xf32, #tpu.memory_space<vmem>>
    %dma_start3A_345 = arith.constant 0 : i32
    %dma_start3A_346 = tpu.memref_slice %arg4[%add3A_339, %dma_start3A_345] : memref<204800x128xf32, #tpu.memory_space<hbm>> -> memref<128x128xf32, #tpu.memory_space<hbm>>
    %dma_start3A_347 = arith.constant 0 : i32
    %dma_start3A_348 = tpu.memref_slice %arg4[%add3A_339, %dma_start3A_347] : memref<204800x128xf32, #tpu.memory_space<hbm>> -> memref<128x128xf32, #tpu.memory_space<hbm>>
    %dma_start3A_349 = arith.constant 0 : i32
    %dma_start3A_350 = arith.constant 0 : i32
    %dma_start3A_351 = tpu.memref_slice %arg6[%dma_start3A_340, %dma_start3A_349, %dma_start3A_350] : memref<5x128x128xf32, #tpu.memory_space<vmem>> -> memref<1x128x128xf32, #tpu.memory_space<vmem>>
    %dma_start3A_352 = tpu.memref_squeeze %dma_start3A_351 : memref<1x128x128xf32, #tpu.memory_space<vmem>> -> memref<128x128xf32, #tpu.memory_space<vmem>>
    tpu.enqueue_dma source(%dma_start3A_352 : memref<128x128xf32, #tpu.memory_space<vmem>>) target(%dma_start3A_348 : memref<128x128xf32, #tpu.memory_space<hbm>>) target_semaphore(%arg12 : memref<!tpu.dma_semaphore, #tpu.memory_space<semaphore_mem>>)
    %dma_wait3A_353 = arith.constant 4 : i32
    %dma_wait3A_354 = arith.constant 0 : i32
    %dma_wait3A_355 = arith.constant 0 : i32
    %dma_wait3A_356 = tpu.memref_slice %arg6[%dma_wait3A_353, %dma_wait3A_354, %dma_wait3A_355] : memref<5x128x128xf32, #tpu.memory_space<vmem>> -> memref<1x128x128xf32, #tpu.memory_space<vmem>>
    %dma_wait3A_357 = tpu.memref_squeeze %dma_wait3A_356 : memref<1x128x128xf32, #tpu.memory_space<vmem>> -> memref<128x128xf32, #tpu.memory_space<vmem>>
    %dma_wait3A_358 = arith.constant 0 : i32
    %dma_wait3A_359 = arith.constant 0 : i32
    %dma_wait3A_360 = tpu.memref_slice %arg2[%dma_wait3A_358, %dma_wait3A_359] : memref<100000x128xf32, #tpu.memory_space<hbm>> -> memref<128x128xf32, #tpu.memory_space<hbm>>
    %dma_wait3A_361 = arith.constant 0 : i32
    %dma_wait3A_362 = arith.constant 0 : i32
    %dma_wait3A_363 = tpu.memref_slice %arg6[%dma_wait3A_353, %dma_wait3A_361, %dma_wait3A_362] : memref<5x128x128xf32, #tpu.memory_space<vmem>> -> memref<1x128x128xf32, #tpu.memory_space<vmem>>
    %dma_wait3A_364 = tpu.memref_squeeze %dma_wait3A_363 : memref<1x128x128xf32, #tpu.memory_space<vmem>> -> memref<128x128xf32, #tpu.memory_space<vmem>>
    %dma_wait3A_365 = arith.constant 0 : i32
    %dma_wait3A_366 = arith.constant 0 : i32
    %dma_wait3A_367 = tpu.memref_slice %arg2[%dma_wait3A_365, %dma_wait3A_366] : memref<100000x128xf32, #tpu.memory_space<hbm>> -> memref<128x128xf32, #tpu.memory_space<hbm>>
    tpu.wait_dma2 semaphore(%arg16 : memref<!tpu.dma_semaphore, #tpu.memory_space<semaphore_mem>>) src(%dma_wait3A_367 : memref<128x128xf32, #tpu.memory_space<hbm>>) dst(%dma_wait3A_364 : memref<128x128xf32, #tpu.memory_space<vmem>>)
    %dma_start3A_368 = arith.constant 49 : i32
    %dma_start3A_369 = arith.constant 4 : i32
    %dma_start3A_370 = arith.constant 0 : i32
    %dma_start3A_371 = arith.constant 0 : i32
    %dma_start3A_372 = tpu.memref_slice %arg6[%dma_start3A_369, %dma_start3A_370, %dma_start3A_371] : memref<5x128x128xf32, #tpu.memory_space<vmem>> -> memref<1x128x128xf32, #tpu.memory_space<vmem>>
    %dma_start3A_373 = tpu.memref_squeeze %dma_start3A_372 : memref<1x128x128xf32, #tpu.memory_space<vmem>> -> memref<128x128xf32, #tpu.memory_space<vmem>>
    %dma_start3A_374 = arith.constant 0 : i32
    %dma_start3A_375 = tpu.memref_slice %arg5[%dma_start3A_368, %dma_start3A_374] : memref<50x128xi32, #tpu.memory_space<vmem>> -> memref<1x128xi32, #tpu.memory_space<vmem>>
    %dma_start3A_376 = tpu.memref_squeeze %dma_start3A_375 : memref<1x128xi32, #tpu.memory_space<vmem>> -> memref<128xi32, #tpu.memory_space<vmem>>
    %dma_start3A_377 = arith.constant 0 : i32
    %dma_start3A_378 = arith.constant 0 : i32
    %dma_start3A_379 = tpu.memref_slice %arg2[%dma_start3A_377, %dma_start3A_378] : memref<100000x128xf32, #tpu.memory_space<hbm>> -> memref<100000x128xf32, #tpu.memory_space<hbm>>
    tpu.enqueue_indirect_dma source(%dma_start3A_379 : memref<100000x128xf32, #tpu.memory_space<hbm>>) target(%dma_start3A_373 : memref<128x128xf32, #tpu.memory_space<vmem>>) offsets(%dma_start3A_376 : memref<128xi32, #tpu.memory_space<vmem>>) semaphore(%arg11 : memref<!tpu.dma_semaphore, #tpu.memory_space<semaphore_mem>>)
    %dma_wait3A_380 = arith.constant 1 : i32
    %dma_wait3A_381 = arith.constant 0 : i32
    %dma_wait3A_382 = arith.constant 0 : i32
    %dma_wait3A_383 = tpu.memref_slice %arg6[%dma_wait3A_380, %dma_wait3A_381, %dma_wait3A_382] : memref<5x128x128xf32, #tpu.memory_space<vmem>> -> memref<1x128x128xf32, #tpu.memory_space<vmem>>
    %dma_wait3A_384 = tpu.memref_squeeze %dma_wait3A_383 : memref<1x128x128xf32, #tpu.memory_space<vmem>> -> memref<128x128xf32, #tpu.memory_space<vmem>>
    %dma_wait3A_385 = arith.constant 0 : i32
    %dma_wait3A_386 = arith.constant 0 : i32
    %dma_wait3A_387 = tpu.memref_slice %arg2[%dma_wait3A_385, %dma_wait3A_386] : memref<100000x128xf32, #tpu.memory_space<hbm>> -> memref<128x128xf32, #tpu.memory_space<hbm>>
    %dma_wait3A_388 = arith.constant 0 : i32
    %dma_wait3A_389 = arith.constant 0 : i32
    %dma_wait3A_390 = tpu.memref_slice %arg6[%dma_wait3A_380, %dma_wait3A_388, %dma_wait3A_389] : memref<5x128x128xf32, #tpu.memory_space<vmem>> -> memref<1x128x128xf32, #tpu.memory_space<vmem>>
    %dma_wait3A_391 = tpu.memref_squeeze %dma_wait3A_390 : memref<1x128x128xf32, #tpu.memory_space<vmem>> -> memref<128x128xf32, #tpu.memory_space<vmem>>
    %dma_wait3A_392 = arith.constant 0 : i32
    %dma_wait3A_393 = arith.constant 0 : i32
    %dma_wait3A_394 = tpu.memref_slice %arg2[%dma_wait3A_392, %dma_wait3A_393] : memref<100000x128xf32, #tpu.memory_space<hbm>> -> memref<128x128xf32, #tpu.memory_space<hbm>>
    tpu.wait_dma2 semaphore(%arg8 : memref<!tpu.dma_semaphore, #tpu.memory_space<semaphore_mem>>) src(%dma_wait3A_394 : memref<128x128xf32, #tpu.memory_space<hbm>>) dst(%dma_wait3A_391 : memref<128x128xf32, #tpu.memory_space<vmem>>)
    %add3A_395 = arith.constant 188416 : i32
    %add3A_396 = arith.addi %add3A_395, %mul3A_2 : i32
    %dma_start3A_397 = arith.constant 1 : i32
    %dma_start3A_398 = arith.constant 0 : i32
    %dma_start3A_399 = arith.constant 0 : i32
    %dma_start3A_400 = tpu.memref_slice %arg6[%dma_start3A_397, %dma_start3A_398, %dma_start3A_399] : memref<5x128x128xf32, #tpu.memory_space<vmem>> -> memref<1x128x128xf32, #tpu.memory_space<vmem>>
    %dma_start3A_401 = tpu.memref_squeeze %dma_start3A_400 : memref<1x128x128xf32, #tpu.memory_space<vmem>> -> memref<128x128xf32, #tpu.memory_space<vmem>>
    %dma_start3A_402 = arith.constant 0 : i32
    %dma_start3A_403 = tpu.memref_slice %arg4[%add3A_396, %dma_start3A_402] : memref<204800x128xf32, #tpu.memory_space<hbm>> -> memref<128x128xf32, #tpu.memory_space<hbm>>
    %dma_start3A_404 = arith.constant 0 : i32
    %dma_start3A_405 = tpu.memref_slice %arg4[%add3A_396, %dma_start3A_404] : memref<204800x128xf32, #tpu.memory_space<hbm>> -> memref<128x128xf32, #tpu.memory_space<hbm>>
    %dma_start3A_406 = arith.constant 0 : i32
    %dma_start3A_407 = arith.constant 0 : i32
    %dma_start3A_408 = tpu.memref_slice %arg6[%dma_start3A_397, %dma_start3A_406, %dma_start3A_407] : memref<5x128x128xf32, #tpu.memory_space<vmem>> -> memref<1x128x128xf32, #tpu.memory_space<vmem>>
    %dma_start3A_409 = tpu.memref_squeeze %dma_start3A_408 : memref<1x128x128xf32, #tpu.memory_space<vmem>> -> memref<128x128xf32, #tpu.memory_space<vmem>>
    tpu.enqueue_dma source(%dma_start3A_409 : memref<128x128xf32, #tpu.memory_space<vmem>>) target(%dma_start3A_405 : memref<128x128xf32, #tpu.memory_space<hbm>>) target_semaphore(%arg13 : memref<!tpu.dma_semaphore, #tpu.memory_space<semaphore_mem>>)
    %dma_wait3A_410 = arith.constant 2 : i32
    %dma_wait3A_411 = arith.constant 0 : i32
    %dma_wait3A_412 = arith.constant 0 : i32
    %dma_wait3A_413 = tpu.memref_slice %arg6[%dma_wait3A_410, %dma_wait3A_411, %dma_wait3A_412] : memref<5x128x128xf32, #tpu.memory_space<vmem>> -> memref<1x128x128xf32, #tpu.memory_space<vmem>>
    %dma_wait3A_414 = tpu.memref_squeeze %dma_wait3A_413 : memref<1x128x128xf32, #tpu.memory_space<vmem>> -> memref<128x128xf32, #tpu.memory_space<vmem>>
    %dma_wait3A_415 = arith.constant 0 : i32
    %dma_wait3A_416 = arith.constant 0 : i32
    %dma_wait3A_417 = tpu.memref_slice %arg2[%dma_wait3A_415, %dma_wait3A_416] : memref<100000x128xf32, #tpu.memory_space<hbm>> -> memref<128x128xf32, #tpu.memory_space<hbm>>
    %dma_wait3A_418 = arith.constant 0 : i32
    %dma_wait3A_419 = arith.constant 0 : i32
    %dma_wait3A_420 = tpu.memref_slice %arg6[%dma_wait3A_410, %dma_wait3A_418, %dma_wait3A_419] : memref<5x128x128xf32, #tpu.memory_space<vmem>> -> memref<1x128x128xf32, #tpu.memory_space<vmem>>
    %dma_wait3A_421 = tpu.memref_squeeze %dma_wait3A_420 : memref<1x128x128xf32, #tpu.memory_space<vmem>> -> memref<128x128xf32, #tpu.memory_space<vmem>>
    %dma_wait3A_422 = arith.constant 0 : i32
    %dma_wait3A_423 = arith.constant 0 : i32
    %dma_wait3A_424 = tpu.memref_slice %arg2[%dma_wait3A_422, %dma_wait3A_423] : memref<100000x128xf32, #tpu.memory_space<hbm>> -> memref<128x128xf32, #tpu.memory_space<hbm>>
    tpu.wait_dma2 semaphore(%arg9 : memref<!tpu.dma_semaphore, #tpu.memory_space<semaphore_mem>>) src(%dma_wait3A_424 : memref<128x128xf32, #tpu.memory_space<hbm>>) dst(%dma_wait3A_421 : memref<128x128xf32, #tpu.memory_space<vmem>>)
    %add3A_425 = arith.constant 192512 : i32
    %add3A_426 = arith.addi %add3A_425, %mul3A_2 : i32
    %dma_start3A_427 = arith.constant 2 : i32
    %dma_start3A_428 = arith.constant 0 : i32
    %dma_start3A_429 = arith.constant 0 : i32
    %dma_start3A_430 = tpu.memref_slice %arg6[%dma_start3A_427, %dma_start3A_428, %dma_start3A_429] : memref<5x128x128xf32, #tpu.memory_space<vmem>> -> memref<1x128x128xf32, #tpu.memory_space<vmem>>
    %dma_start3A_431 = tpu.memref_squeeze %dma_start3A_430 : memref<1x128x128xf32, #tpu.memory_space<vmem>> -> memref<128x128xf32, #tpu.memory_space<vmem>>
    %dma_start3A_432 = arith.constant 0 : i32
    %dma_start3A_433 = tpu.memref_slice %arg4[%add3A_426, %dma_start3A_432] : memref<204800x128xf32, #tpu.memory_space<hbm>> -> memref<128x128xf32, #tpu.memory_space<hbm>>
    %dma_start3A_434 = arith.constant 0 : i32
    %dma_start3A_435 = tpu.memref_slice %arg4[%add3A_426, %dma_start3A_434] : memref<204800x128xf32, #tpu.memory_space<hbm>> -> memref<128x128xf32, #tpu.memory_space<hbm>>
    %dma_start3A_436 = arith.constant 0 : i32
    %dma_start3A_437 = arith.constant 0 : i32
    %dma_start3A_438 = tpu.memref_slice %arg6[%dma_start3A_427, %dma_start3A_436, %dma_start3A_437] : memref<5x128x128xf32, #tpu.memory_space<vmem>> -> memref<1x128x128xf32, #tpu.memory_space<vmem>>
    %dma_start3A_439 = tpu.memref_squeeze %dma_start3A_438 : memref<1x128x128xf32, #tpu.memory_space<vmem>> -> memref<128x128xf32, #tpu.memory_space<vmem>>
    tpu.enqueue_dma source(%dma_start3A_439 : memref<128x128xf32, #tpu.memory_space<vmem>>) target(%dma_start3A_435 : memref<128x128xf32, #tpu.memory_space<hbm>>) target_semaphore(%arg14 : memref<!tpu.dma_semaphore, #tpu.memory_space<semaphore_mem>>)
    %dma_wait3A_440 = arith.constant 3 : i32
    %dma_wait3A_441 = arith.constant 0 : i32
    %dma_wait3A_442 = arith.constant 0 : i32
    %dma_wait3A_443 = tpu.memref_slice %arg6[%dma_wait3A_440, %dma_wait3A_441, %dma_wait3A_442] : memref<5x128x128xf32, #tpu.memory_space<vmem>> -> memref<1x128x128xf32, #tpu.memory_space<vmem>>
    %dma_wait3A_444 = tpu.memref_squeeze %dma_wait3A_443 : memref<1x128x128xf32, #tpu.memory_space<vmem>> -> memref<128x128xf32, #tpu.memory_space<vmem>>
    %dma_wait3A_445 = arith.constant 0 : i32
    %dma_wait3A_446 = arith.constant 0 : i32
    %dma_wait3A_447 = tpu.memref_slice %arg2[%dma_wait3A_445, %dma_wait3A_446] : memref<100000x128xf32, #tpu.memory_space<hbm>> -> memref<128x128xf32, #tpu.memory_space<hbm>>
    %dma_wait3A_448 = arith.constant 0 : i32
    %dma_wait3A_449 = arith.constant 0 : i32
    %dma_wait3A_450 = tpu.memref_slice %arg6[%dma_wait3A_440, %dma_wait3A_448, %dma_wait3A_449] : memref<5x128x128xf32, #tpu.memory_space<vmem>> -> memref<1x128x128xf32, #tpu.memory_space<vmem>>
    %dma_wait3A_451 = tpu.memref_squeeze %dma_wait3A_450 : memref<1x128x128xf32, #tpu.memory_space<vmem>> -> memref<128x128xf32, #tpu.memory_space<vmem>>
    %dma_wait3A_452 = arith.constant 0 : i32
    %dma_wait3A_453 = arith.constant 0 : i32
    %dma_wait3A_454 = tpu.memref_slice %arg2[%dma_wait3A_452, %dma_wait3A_453] : memref<100000x128xf32, #tpu.memory_space<hbm>> -> memref<128x128xf32, #tpu.memory_space<hbm>>
    tpu.wait_dma2 semaphore(%arg10 : memref<!tpu.dma_semaphore, #tpu.memory_space<semaphore_mem>>) src(%dma_wait3A_454 : memref<128x128xf32, #tpu.memory_space<hbm>>) dst(%dma_wait3A_451 : memref<128x128xf32, #tpu.memory_space<vmem>>)
    %add3A_455 = arith.constant 196608 : i32
    %add3A_456 = arith.addi %add3A_455, %mul3A_2 : i32
    %dma_start3A_457 = arith.constant 3 : i32
    %dma_start3A_458 = arith.constant 0 : i32
    %dma_start3A_459 = arith.constant 0 : i32
    %dma_start3A_460 = tpu.memref_slice %arg6[%dma_start3A_457, %dma_start3A_458, %dma_start3A_459] : memref<5x128x128xf32, #tpu.memory_space<vmem>> -> memref<1x128x128xf32, #tpu.memory_space<vmem>>
    %dma_start3A_461 = tpu.memref_squeeze %dma_start3A_460 : memref<1x128x128xf32, #tpu.memory_space<vmem>> -> memref<128x128xf32, #tpu.memory_space<vmem>>
    %dma_start3A_462 = arith.constant 0 : i32
    %dma_start3A_463 = tpu.memref_slice %arg4[%add3A_456, %dma_start3A_462] : memref<204800x128xf32, #tpu.memory_space<hbm>> -> memref<128x128xf32, #tpu.memory_space<hbm>>
    %dma_start3A_464 = arith.constant 0 : i32
    %dma_start3A_465 = tpu.memref_slice %arg4[%add3A_456, %dma_start3A_464] : memref<204800x128xf32, #tpu.memory_space<hbm>> -> memref<128x128xf32, #tpu.memory_space<hbm>>
    %dma_start3A_466 = arith.constant 0 : i32
    %dma_start3A_467 = arith.constant 0 : i32
    %dma_start3A_468 = tpu.memref_slice %arg6[%dma_start3A_457, %dma_start3A_466, %dma_start3A_467] : memref<5x128x128xf32, #tpu.memory_space<vmem>> -> memref<1x128x128xf32, #tpu.memory_space<vmem>>
    %dma_start3A_469 = tpu.memref_squeeze %dma_start3A_468 : memref<1x128x128xf32, #tpu.memory_space<vmem>> -> memref<128x128xf32, #tpu.memory_space<vmem>>
    tpu.enqueue_dma source(%dma_start3A_469 : memref<128x128xf32, #tpu.memory_space<vmem>>) target(%dma_start3A_465 : memref<128x128xf32, #tpu.memory_space<hbm>>) target_semaphore(%arg15 : memref<!tpu.dma_semaphore, #tpu.memory_space<semaphore_mem>>)
    %dma_wait3A_470 = arith.constant 4 : i32
    %dma_wait3A_471 = arith.constant 0 : i32
    %dma_wait3A_472 = arith.constant 0 : i32
    %dma_wait3A_473 = tpu.memref_slice %arg6[%dma_wait3A_470, %dma_wait3A_471, %dma_wait3A_472] : memref<5x128x128xf32, #tpu.memory_space<vmem>> -> memref<1x128x128xf32, #tpu.memory_space<vmem>>
    %dma_wait3A_474 = tpu.memref_squeeze %dma_wait3A_473 : memref<1x128x128xf32, #tpu.memory_space<vmem>> -> memref<128x128xf32, #tpu.memory_space<vmem>>
    %dma_wait3A_475 = arith.constant 0 : i32
    %dma_wait3A_476 = arith.constant 0 : i32
    %dma_wait3A_477 = tpu.memref_slice %arg2[%dma_wait3A_475, %dma_wait3A_476] : memref<100000x128xf32, #tpu.memory_space<hbm>> -> memref<128x128xf32, #tpu.memory_space<hbm>>
    %dma_wait3A_478 = arith.constant 0 : i32
    %dma_wait3A_479 = arith.constant 0 : i32
    %dma_wait3A_480 = tpu.memref_slice %arg6[%dma_wait3A_470, %dma_wait3A_478, %dma_wait3A_479] : memref<5x128x128xf32, #tpu.memory_space<vmem>> -> memref<1x128x128xf32, #tpu.memory_space<vmem>>
    %dma_wait3A_481 = tpu.memref_squeeze %dma_wait3A_480 : memref<1x128x128xf32, #tpu.memory_space<vmem>> -> memref<128x128xf32, #tpu.memory_space<vmem>>
    %dma_wait3A_482 = arith.constant 0 : i32
    %dma_wait3A_483 = arith.constant 0 : i32
    %dma_wait3A_484 = tpu.memref_slice %arg2[%dma_wait3A_482, %dma_wait3A_483] : memref<100000x128xf32, #tpu.memory_space<hbm>> -> memref<128x128xf32, #tpu.memory_space<hbm>>
    tpu.wait_dma2 semaphore(%arg11 : memref<!tpu.dma_semaphore, #tpu.memory_space<semaphore_mem>>) src(%dma_wait3A_484 : memref<128x128xf32, #tpu.memory_space<hbm>>) dst(%dma_wait3A_481 : memref<128x128xf32, #tpu.memory_space<vmem>>)
    %add3A_485 = arith.constant 200704 : i32
    %add3A_486 = arith.addi %add3A_485, %mul3A_2 : i32
    %dma_start3A_487 = arith.constant 4 : i32
    %dma_start3A_488 = arith.constant 0 : i32
    %dma_start3A_489 = arith.constant 0 : i32
    %dma_start3A_490 = tpu.memref_slice %arg6[%dma_start3A_487, %dma_start3A_488, %dma_start3A_489] : memref<5x128x128xf32, #tpu.memory_space<vmem>> -> memref<1x128x128xf32, #tpu.memory_space<vmem>>
    %dma_start3A_491 = tpu.memref_squeeze %dma_start3A_490 : memref<1x128x128xf32, #tpu.memory_space<vmem>> -> memref<128x128xf32, #tpu.memory_space<vmem>>
    %dma_start3A_492 = arith.constant 0 : i32
    %dma_start3A_493 = tpu.memref_slice %arg4[%add3A_486, %dma_start3A_492] : memref<204800x128xf32, #tpu.memory_space<hbm>> -> memref<128x128xf32, #tpu.memory_space<hbm>>
    %dma_start3A_494 = arith.constant 0 : i32
    %dma_start3A_495 = tpu.memref_slice %arg4[%add3A_486, %dma_start3A_494] : memref<204800x128xf32, #tpu.memory_space<hbm>> -> memref<128x128xf32, #tpu.memory_space<hbm>>
    %dma_start3A_496 = arith.constant 0 : i32
    %dma_start3A_497 = arith.constant 0 : i32
    %dma_start3A_498 = tpu.memref_slice %arg6[%dma_start3A_487, %dma_start3A_496, %dma_start3A_497] : memref<5x128x128xf32, #tpu.memory_space<vmem>> -> memref<1x128x128xf32, #tpu.memory_space<vmem>>
    %dma_start3A_499 = tpu.memref_squeeze %dma_start3A_498 : memref<1x128x128xf32, #tpu.memory_space<vmem>> -> memref<128x128xf32, #tpu.memory_space<vmem>>
    tpu.enqueue_dma source(%dma_start3A_499 : memref<128x128xf32, #tpu.memory_space<vmem>>) target(%dma_start3A_495 : memref<128x128xf32, #tpu.memory_space<hbm>>) target_semaphore(%arg16 : memref<!tpu.dma_semaphore, #tpu.memory_space<semaphore_mem>>)
    %dma_wait3A_500 = arith.constant 0 : i32
    %dma_wait3A_501 = arith.constant 0 : i32
    %dma_wait3A_502 = arith.constant 0 : i32
    %dma_wait3A_503 = tpu.memref_slice %arg6[%dma_wait3A_500, %dma_wait3A_501, %dma_wait3A_502] : memref<5x128x128xf32, #tpu.memory_space<vmem>> -> memref<1x128x128xf32, #tpu.memory_space<vmem>>
    %dma_wait3A_504 = tpu.memref_squeeze %dma_wait3A_503 : memref<1x128x128xf32, #tpu.memory_space<vmem>> -> memref<128x128xf32, #tpu.memory_space<vmem>>
    %dma_wait3A_505 = arith.constant 0 : i32
    %dma_wait3A_506 = arith.constant 0 : i32
    %dma_wait3A_507 = tpu.memref_slice %arg2[%dma_wait3A_505, %dma_wait3A_506] : memref<100000x128xf32, #tpu.memory_space<hbm>> -> memref<128x128xf32, #tpu.memory_space<hbm>>
    %dma_wait3A_508 = arith.constant 0 : i32
    %dma_wait3A_509 = arith.constant 0 : i32
    %dma_wait3A_510 = tpu.memref_slice %arg6[%dma_wait3A_500, %dma_wait3A_508, %dma_wait3A_509] : memref<5x128x128xf32, #tpu.memory_space<vmem>> -> memref<1x128x128xf32, #tpu.memory_space<vmem>>
    %dma_wait3A_511 = tpu.memref_squeeze %dma_wait3A_510 : memref<1x128x128xf32, #tpu.memory_space<vmem>> -> memref<128x128xf32, #tpu.memory_space<vmem>>
    %dma_wait3A_512 = arith.constant 0 : i32
    %dma_wait3A_513 = arith.constant 0 : i32
    %dma_wait3A_514 = tpu.memref_slice %arg2[%dma_wait3A_512, %dma_wait3A_513] : memref<100000x128xf32, #tpu.memory_space<hbm>> -> memref<128x128xf32, #tpu.memory_space<hbm>>
    tpu.wait_dma2 semaphore(%arg12 : memref<!tpu.dma_semaphore, #tpu.memory_space<semaphore_mem>>) src(%dma_wait3A_514 : memref<128x128xf32, #tpu.memory_space<hbm>>) dst(%dma_wait3A_511 : memref<128x128xf32, #tpu.memory_space<vmem>>)
    %dma_wait3A_515 = arith.constant 1 : i32
    %dma_wait3A_516 = arith.constant 0 : i32
    %dma_wait3A_517 = arith.constant 0 : i32
    %dma_wait3A_518 = tpu.memref_slice %arg6[%dma_wait3A_515, %dma_wait3A_516, %dma_wait3A_517] : memref<5x128x128xf32, #tpu.memory_space<vmem>> -> memref<1x128x128xf32, #tpu.memory_space<vmem>>
    %dma_wait3A_519 = tpu.memref_squeeze %dma_wait3A_518 : memref<1x128x128xf32, #tpu.memory_space<vmem>> -> memref<128x128xf32, #tpu.memory_space<vmem>>
    %dma_wait3A_520 = arith.constant 0 : i32
    %dma_wait3A_521 = arith.constant 0 : i32
    %dma_wait3A_522 = tpu.memref_slice %arg2[%dma_wait3A_520, %dma_wait3A_521] : memref<100000x128xf32, #tpu.memory_space<hbm>> -> memref<128x128xf32, #tpu.memory_space<hbm>>
    %dma_wait3A_523 = arith.constant 0 : i32
    %dma_wait3A_524 = arith.constant 0 : i32
    %dma_wait3A_525 = tpu.memref_slice %arg6[%dma_wait3A_515, %dma_wait3A_523, %dma_wait3A_524] : memref<5x128x128xf32, #tpu.memory_space<vmem>> -> memref<1x128x128xf32, #tpu.memory_space<vmem>>
    %dma_wait3A_526 = tpu.memref_squeeze %dma_wait3A_525 : memref<1x128x128xf32, #tpu.memory_space<vmem>> -> memref<128x128xf32, #tpu.memory_space<vmem>>
    %dma_wait3A_527 = arith.constant 0 : i32
    %dma_wait3A_528 = arith.constant 0 : i32
    %dma_wait3A_529 = tpu.memref_slice %arg2[%dma_wait3A_527, %dma_wait3A_528] : memref<100000x128xf32, #tpu.memory_space<hbm>> -> memref<128x128xf32, #tpu.memory_space<hbm>>
    tpu.wait_dma2 semaphore(%arg13 : memref<!tpu.dma_semaphore, #tpu.memory_space<semaphore_mem>>) src(%dma_wait3A_529 : memref<128x128xf32, #tpu.memory_space<hbm>>) dst(%dma_wait3A_526 : memref<128x128xf32, #tpu.memory_space<vmem>>)
    %dma_wait3A_530 = arith.constant 2 : i32
    %dma_wait3A_531 = arith.constant 0 : i32
    %dma_wait3A_532 = arith.constant 0 : i32
    %dma_wait3A_533 = tpu.memref_slice %arg6[%dma_wait3A_530, %dma_wait3A_531, %dma_wait3A_532] : memref<5x128x128xf32, #tpu.memory_space<vmem>> -> memref<1x128x128xf32, #tpu.memory_space<vmem>>
    %dma_wait3A_534 = tpu.memref_squeeze %dma_wait3A_533 : memref<1x128x128xf32, #tpu.memory_space<vmem>> -> memref<128x128xf32, #tpu.memory_space<vmem>>
    %dma_wait3A_535 = arith.constant 0 : i32
    %dma_wait3A_536 = arith.constant 0 : i32
    %dma_wait3A_537 = tpu.memref_slice %arg2[%dma_wait3A_535, %dma_wait3A_536] : memref<100000x128xf32, #tpu.memory_space<hbm>> -> memref<128x128xf32, #tpu.memory_space<hbm>>
    %dma_wait3A_538 = arith.constant 0 : i32
    %dma_wait3A_539 = arith.constant 0 : i32
    %dma_wait3A_540 = tpu.memref_slice %arg6[%dma_wait3A_530, %dma_wait3A_538, %dma_wait3A_539] : memref<5x128x128xf32, #tpu.memory_space<vmem>> -> memref<1x128x128xf32, #tpu.memory_space<vmem>>
    %dma_wait3A_541 = tpu.memref_squeeze %dma_wait3A_540 : memref<1x128x128xf32, #tpu.memory_space<vmem>> -> memref<128x128xf32, #tpu.memory_space<vmem>>
    %dma_wait3A_542 = arith.constant 0 : i32
    %dma_wait3A_543 = arith.constant 0 : i32
    %dma_wait3A_544 = tpu.memref_slice %arg2[%dma_wait3A_542, %dma_wait3A_543] : memref<100000x128xf32, #tpu.memory_space<hbm>> -> memref<128x128xf32, #tpu.memory_space<hbm>>
    tpu.wait_dma2 semaphore(%arg14 : memref<!tpu.dma_semaphore, #tpu.memory_space<semaphore_mem>>) src(%dma_wait3A_544 : memref<128x128xf32, #tpu.memory_space<hbm>>) dst(%dma_wait3A_541 : memref<128x128xf32, #tpu.memory_space<vmem>>)
    %dma_wait3A_545 = arith.constant 3 : i32
    %dma_wait3A_546 = arith.constant 0 : i32
    %dma_wait3A_547 = arith.constant 0 : i32
    %dma_wait3A_548 = tpu.memref_slice %arg6[%dma_wait3A_545, %dma_wait3A_546, %dma_wait3A_547] : memref<5x128x128xf32, #tpu.memory_space<vmem>> -> memref<1x128x128xf32, #tpu.memory_space<vmem>>
    %dma_wait3A_549 = tpu.memref_squeeze %dma_wait3A_548 : memref<1x128x128xf32, #tpu.memory_space<vmem>> -> memref<128x128xf32, #tpu.memory_space<vmem>>
    %dma_wait3A_550 = arith.constant 0 : i32
    %dma_wait3A_551 = arith.constant 0 : i32
    %dma_wait3A_552 = tpu.memref_slice %arg2[%dma_wait3A_550, %dma_wait3A_551] : memref<100000x128xf32, #tpu.memory_space<hbm>> -> memref<128x128xf32, #tpu.memory_space<hbm>>
    %dma_wait3A_553 = arith.constant 0 : i32
    %dma_wait3A_554 = arith.constant 0 : i32
    %dma_wait3A_555 = tpu.memref_slice %arg6[%dma_wait3A_545, %dma_wait3A_553, %dma_wait3A_554] : memref<5x128x128xf32, #tpu.memory_space<vmem>> -> memref<1x128x128xf32, #tpu.memory_space<vmem>>
    %dma_wait3A_556 = tpu.memref_squeeze %dma_wait3A_555 : memref<1x128x128xf32, #tpu.memory_space<vmem>> -> memref<128x128xf32, #tpu.memory_space<vmem>>
    %dma_wait3A_557 = arith.constant 0 : i32
    %dma_wait3A_558 = arith.constant 0 : i32
    %dma_wait3A_559 = tpu.memref_slice %arg2[%dma_wait3A_557, %dma_wait3A_558] : memref<100000x128xf32, #tpu.memory_space<hbm>> -> memref<128x128xf32, #tpu.memory_space<hbm>>
    tpu.wait_dma2 semaphore(%arg15 : memref<!tpu.dma_semaphore, #tpu.memory_space<semaphore_mem>>) src(%dma_wait3A_559 : memref<128x128xf32, #tpu.memory_space<hbm>>) dst(%dma_wait3A_556 : memref<128x128xf32, #tpu.memory_space<vmem>>)
    %dma_wait3A_560 = arith.constant 4 : i32
    %dma_wait3A_561 = arith.constant 0 : i32
    %dma_wait3A_562 = arith.constant 0 : i32
    %dma_wait3A_563 = tpu.memref_slice %arg6[%dma_wait3A_560, %dma_wait3A_561, %dma_wait3A_562] : memref<5x128x128xf32, #tpu.memory_space<vmem>> -> memref<1x128x128xf32, #tpu.memory_space<vmem>>
    %dma_wait3A_564 = tpu.memref_squeeze %dma_wait3A_563 : memref<1x128x128xf32, #tpu.memory_space<vmem>> -> memref<128x128xf32, #tpu.memory_space<vmem>>
    %dma_wait3A_565 = arith.constant 0 : i32
    %dma_wait3A_566 = arith.constant 0 : i32
    %dma_wait3A_567 = tpu.memref_slice %arg2[%dma_wait3A_565, %dma_wait3A_566] : memref<100000x128xf32, #tpu.memory_space<hbm>> -> memref<128x128xf32, #tpu.memory_space<hbm>>
    %dma_wait3A_568 = arith.constant 0 : i32
    %dma_wait3A_569 = arith.constant 0 : i32
    %dma_wait3A_570 = tpu.memref_slice %arg6[%dma_wait3A_560, %dma_wait3A_568, %dma_wait3A_569] : memref<5x128x128xf32, #tpu.memory_space<vmem>> -> memref<1x128x128xf32, #tpu.memory_space<vmem>>
    %dma_wait3A_571 = tpu.memref_squeeze %dma_wait3A_570 : memref<1x128x128xf32, #tpu.memory_space<vmem>> -> memref<128x128xf32, #tpu.memory_space<vmem>>
    %dma_wait3A_572 = arith.constant 0 : i32
    %dma_wait3A_573 = arith.constant 0 : i32
    %dma_wait3A_574 = tpu.memref_slice %arg2[%dma_wait3A_572, %dma_wait3A_573] : memref<100000x128xf32, #tpu.memory_space<hbm>> -> memref<128x128xf32, #tpu.memory_space<hbm>>
    tpu.wait_dma2 semaphore(%arg16 : memref<!tpu.dma_semaphore, #tpu.memory_space<semaphore_mem>>) src(%dma_wait3A_574 : memref<128x128xf32, #tpu.memory_space<hbm>>) dst(%dma_wait3A_571 : memref<128x128xf32, #tpu.memory_space<vmem>>)
    return
  }
}

</mosaic_0001>

<sc_bundles>
// kernel: kernel.3.cloned.1.call-start
scs
__scs_entry_jumppad:
0x0: {  	(pc) =	sbr.rel $0x88, $3  }
0x1: {  	(tag) =	ssettag $0x0;
	lr =	simm.s32 $0x1  }
0x2: {  	[smem:$0x3F9F] =	sst lr;
	_ =	strace $0xD0000000  }
0x3: {  	_ = 	snop  }
0x4: {  	_ = 	snop  }
0x5: {  	_ = 	snop  }
0x6: {  	_ = 	snop  }
0x7: {  	_ = 	snop  }
__scs_overlays_trampoline_lowered:
0x8: {  	[smem:$0x3FAE] =	sst s0  }
0x9: {  	[smem:$0x3FAF] =	sst s1  }
0xa: {  	[smem:$0x3FB0] =	sst s2  }
0xb: {  	[smem:$0x3FB1] =	sst s3  }
0xc: {  	[smem:$0x3FB2] =	sst s4  }
0xd: {  	[smem:$0x3FB3] =	sst s5  }
0xe: {  	[smem:$0x3FB4] =	sst s6  }
0xf: {  	[smem:$0x3FB5] =	sst s7  }
0x10: {  	[smem:$0x3FB6] =	sst s8  }
0x11: {  	[smem:$0x3FB7] =	sst s9;
	s0 =	simm.s32 @!p0 $0x0  }
0x12: {  	s1 =	sld [smem:$0x3F9D];
	s0 =	simm.s32 @p0 $0x1  }
0x13: {  	[smem:$0x3FB8] =	sst s0;
	s0 =	simm.s32 @!p1 $0x0  }
0x14: {  	s2 =	sld [smem:$0x3F9C];
	s0 =	simm.s32 @p1 $0x1  }
0x15: {  	[smem:$0x3FB9] =	sst s0;
	s0 =	simm.s32 @!p2 $0x0  }
0x16: {  	s3 =	sld [smem:$0x3FDB];
	s0 =	simm.s32 @p2 $0x1  }
0x17: {  	s4 =	simm.s32 $0x1BF5;
	[smem:$0x3FBB] =	sst s0  }
0x18: {  	s0 =	sld [smem:$0x3F9E];
	_ =	swait.ge [sflag:s4], $0x0  }
0x19: {  	s7 =	sld [smem:$0x3F9F]  }
0x1a: {  	s8 =	sadd.s32 $0xFFFFE003, lr  }
0x1b: {  	s9 =	sadd.s32 $0xFFFFFEF7, lr;
	s5 =	simm.s32 $0xFFFFFFFF;
	p2 =	slt.u32 s8, $0xFFFFF086  }
0x1c: {  	p1 =	slt.u32 s9, $0xF7A;
	s5 =	simm.s32 @!p2 $0x0  }
0x1d: {  	s5 =	simm.s32 @p1 $0x1;
	p0 =	seq.s32 s7, s2  }
0x1e: {  	s7 =	smul.u32 @!p0 $0xF7A, s2;
	p2 =	seq.s32 @!p0 s5, $0x0  }
0x1f: {  	s9 =	smul.u32 $0xF7A, s1;
	s8 =	simm.s32 @!p0 $0x1BF5;
	p2 =	por !p2, p0  }
0x20: {  	[sflag:s8] =	ssyncset.s32 @!p0 $0xFFFFF086;
	s6 =	sadd.s32 @!p0 s3, s7;
	s7 =	simm.s32 @!p0 $0x108  }
0x21: {  	s3 =	sadd.s32 s3, s9;
	s6 =	sadd.s32 @!p0 $0x88, s6;
	s7 =	simm.s32 @p2 $0x1082  }
0x22: {  	[simem:s7], [sflag:s8] =	dma.local @!p0 [hbm:s6], $0xF7A  }
0x23: {  	s9 =	sor.u32 $0xD0000000, s2;
	s6 =	simm.s32 $0x108;
	_ =	swait.ge @!p0 [sflag:s8], $0x0  }
0x24: {  	s3 =	sadd.s32 $0x88, s3;
	s6 =	simm.s32 @!p1 $0x1082;
	[sflag:s4] =	ssyncset.s32 $0xFFFFF086  }
0x25: {  	[simem:s6], [sflag:s4] =	dma.local [hbm:s3], $0xF7A  }
0x26: {  	[smem:$0x3F9F] =	sst s1;
	(tag) =	ssettag s2;
	_ =	strace s9  }
0x27: {  	s1 =	sld [smem:$0x3FAF]  }
0x28: {  	s2 =	sld [smem:$0x3FB0]  }
0x29: {  	s4 =	sld [smem:$0x3FB2]  }
0x2a: {  	p0 =	seq.s32 s5, $0x0;
	s5 =	sld [smem:$0x3FB3]  }
0x2b: {  	s6 =	sld [smem:$0x3FB4]  }
0x2c: {  	s7 =	sld [smem:$0x3FB5]  }
0x2d: {  	s3 =	simm.s32 $0x108;
	s8 =	sld [smem:$0x3FB6]  }
0x2e: {  	s3 =	simm.s32 @!p0 $0x1082;
	s9 =	sld [smem:$0x3FB7]  }
0x2f: {  	lr =	sadd.s32 s0, s3;
	s0 =	sld [smem:$0x3FAE]  }
0x30: {  	s3 =	sld [smem:$0x3FB1]  }
0x31: {  	[smem:$0x3FBA] =	sst s10  }
0x32: {  	s10 =	sld [smem:$0x3FB8];
	_ =	sdelay $0x3  }
0x33: {  	p0 =	seq.s32 s10, $0x1;
	s10 =	sld [smem:$0x3FBA];
	_ =	sdelay $0x3  }
0x34: {  	[smem:$0x3FBA] =	sst s10  }
0x35: {  	s10 =	sld [smem:$0x3FB9];
	_ =	sdelay $0x3  }
0x36: {  	p1 =	seq.s32 s10, $0x1;
	s10 =	sld [smem:$0x3FBA];
	_ =	sdelay $0x3  }
0x37: {  	[smem:$0x3FBA] =	sst s10  }
0x38: {  	s10 =	sld [smem:$0x3FBB]  }
0x39: {  	_ = 	snop;
	(pc) =	sbr.ind lr, $3  }
0x3a: {  	_ = 	snop  }
0x3b: {  	_ = 	snop  }
0x3c: {  	p2 =	seq.s32 s10, $0x1;
	s10 =	sld [smem:$0x3FBA]  }
0x3d: {  	_ =	shalt  }
0x3e: {  	_ =	shalt  }
0x3f: {  	_ =	shalt  }
0x40: {  	_ =	shalt  }
0x41: {  	_ =	shalt  }
0x42: {  	_ =	shalt  }
0x43: {  	_ =	shalt  }
0x44: {  	_ =	shalt  }
0x45: {  	_ =	shalt  }
0x46: {  	_ =	shalt  }
0x47: {  	_ =	shalt  }
0x48: {  	_ =	shalt  }
0x49: {  	_ =	shalt  }
0x4a: {  	_ =	shalt  }
0x4b: {  	_ =	shalt  }
0x4c: {  	_ =	shalt  }
0x4d: {  	_ =	shalt  }
0x4e: {  	_ =	shalt  }
0x4f: {  	_ =	shalt  }
0x50: {  	_ =	shalt  }
0x51: {  	_ =	shalt  }
0x52: {  	_ =	shalt  }
0x53: {  	_ =	shalt  }
0x54: {  	_ =	shalt  }
0x55: {  	_ =	shalt  }
0x56: {  	_ =	shalt  }
0x57: {  	_ =	shalt  }
0x58: {  	_ =	shalt  }
0x59: {  	_ =	shalt  }
0x5a: {  	_ =	shalt  }
0x5b: {  	_ =	shalt  }
0x5c: {  	_ =	shalt  }
0x5d: {  	_ =	shalt  }
0x5e: {  	_ =	shalt  }
0x5f: {  	_ =	shalt  }
0x60: {  	_ =	shalt  }
0x61: {  	_ =	shalt  }
0x62: {  	_ =	shalt  }
0x63: {  	_ =	shalt  }
0x64: {  	_ =	shalt  }
0x65: {  	_ =	shalt  }
0x66: {  	_ =	shalt  }
0x67: {  	_ =	shalt  }
0x68: {  	_ =	shalt  }
0x69: {  	_ =	shalt  }
0x6a: {  	_ =	shalt  }
0x6b: {  	_ =	shalt  }
0x6c: {  	_ =	shalt  }
0x6d: {  	_ =	shalt  }
0x6e: {  	_ =	shalt  }
0x6f: {  	_ =	shalt  }
0x70: {  	_ =	shalt  }
0x71: {  	_ =	shalt  }
0x72: {  	_ =	shalt  }
0x73: {  	_ =	shalt  }
0x74: {  	_ =	shalt  }
0x75: {  	_ =	shalt  }
0x76: {  	_ =	shalt  }
0x77: {  	_ =	shalt  }
0x78: {  	_ =	shalt  }
0x79: {  	_ =	shalt  }
0x7a: {  	_ =	shalt  }
0x7b: {  	_ =	shalt  }
0x7c: {  	_ =	shalt  }
0x7d: {  	_ =	shalt  }
0x7e: {  	_ =	shalt  }
0x7f: {  	_ =	shalt  }
0x80: {  	_ =	shalt  }
0x81: {  	_ =	shalt  }
0x82: {  	_ =	shalt  }
0x83: {  	_ =	shalt  }
0x84: {  	_ =	shalt  }
0x85: {  	_ =	shalt  }
0x86: {  	_ =	shalt  }
0x87: {  	_ =	shalt  }
.Lfunc_end0:
.L_simem_size_0:
called_computation_lowered:
.L_overlay_start_0:
0x88: {  	s2 =	sld [smem:$0x3FD9]  }
0x89: {  	s3 =	sld [smem:$0x3FFE];
	_ =	sdelay $0x1  }
0x8a: {  	s1 =	srdreg.scid  }
0x8b: {  	s0 =	sand.u32 $0x1, s1  }
0x8c: {  	s18 =	sshll.u32 s0, $0xA;
	s2 =	sadd.s32 s3, s2  }
0x8d: {  	s2 =	sadd.s32 s2, s18  }
0x8e: {  	[smem:$0x3FC6] =	sst s2  }
0x8f: {  	_ = 	snop  }
0x90: {  	s2 =	sld [smem:$0x3FC9]  }
0x91: {  	s19 =	sld [smem:$0x3FC8]  }
0x92: {  	s4 =	sld [smem:$0x3FD0];
	(tm) =	ssettm $0x1  }
0x93: {  	s5 =	sld [smem:$0x3FFB];
	_ =	sdelay $0x3  }
0x94: {  	_ =	strace s5  }
0x95: {  	s5 =	sld [smem:$0x3FFC];
	_ =	sdelay $0x3  }
0x96: {  	_ =	strace s5  }
0x97: {  	s5 =	sld [smem:$0x3FFD];
	_ =	sdelay $0x3  }
0x98: {  	_ =	strace s5  }
0x99: {  	_ =	strace $0x8FFFFFFF  }
0x9a: {  	s20 =	sld [smem:$0x3FDB];
	_ =	sdelay $0x1  }
0x9b: {  	s6 =	simm.s32 $_scs_section_size  }
0x9c: {  	s7 =	simm.s32 $_size__tile_overlayer_lowered;
	s8 =	simm.s32 $_tile_overlayer_lowered  }
0x9d: {  	s23 =	simm.s32 $0x1BFF;
	s22 =	sshll.u32 s8, $0x1;
	s5 =	sadd.s32 s6, s20  }
0x9e: {  	s9 =	simm.s32 $0x0;
	s21 =	sshll.u32 s7, $0x1;
	s7 =	sadd.s32 s22, s5  }
0x9f: {  	[timem:s9], [sflag:s23] =	dma.local [hbm:s7], s21  }
0xa0: {  	_ =	swait.ge [sflag:s23], s21  }
0xa1: {  	s6 =	ssub.s32 $0x0, s21;
	[sflag:s23] =	ssyncset.done $0x0  }
0xa2: {  	[sflag:s23] =	ssyncadd.s32 s6;
	_ =	sdelay $0x1  }
0xa3: {  	s24 =	simm.s32 $0x1B8B  }
0xa4: {  	_ =	swait.ge [sflag:s24], $0x1  }
0xa5: {  	[sflag:s24] =	ssyncset.done $0x0  }
0xa6: {  	s25 =	simm.s32 $0x1B8E;
	[sflag:s24] =	ssyncadd.s32 $0xFFFFFFFF  }
0xa7: {  	s26 =	simm.s32 $execute0_lowered;
	[smem:$0x3FD2] =	sst s25  }
0xa8: {  	s6 =	sshll.u32 s26, $0x1;
	_ =	strace $0x80000046;
	[dreg:$0x1] =	wrdreg $0xFFFFFFFF  }
0xa9: {  	s28 =	simm.s32 $_size_execute0_lowered;
	s5 =	sadd.s32 s5, s6;
	[dreg:$0x0] =	wrdreg $0x0  }
0xaa: {  	s6 =	sshll.u32 s28, $0x1;
	[dreg:$0x2] =	wrdreg s5  }
0xab: {  	[dreg:$0x3] =	wrdreg s6  }
0xac: {  	[dreg:$0x4] =	wrdreg $0xC0  }
0xad: {  	_ =	task [dreg:s9], $0x5FFFF  }
0xae: {  	[dreg:$0x1] =	wrdreg $0xFFFFFFFF  }
0xaf: {  	[dreg:$0x0] =	wrdreg $0x60  }
0xb0: {  	[dreg:$0x2] =	wrdreg s19  }
0xb1: {  	[dreg:$0x3] =	wrdreg s2  }
0xb2: {  	[dreg:$0x4] =	wrdreg s4  }
0xb3: {  	[dreg:$0x5] =	wrdreg $0x9  }
0xb4: {  	_ =	task.clear_ibuf [dreg:s9], $0x6FFFF;
	_ =	strace $0x90000046  }
0xb5: {  	s29 =	simm.s32 $0x9;
	_ =	strace $0x80000048  }
0xb6: {  	_ =	swait.ge [sflag:s29], $0x1  }
0xb7: {  	[sflag:s29] =	ssyncadd.s32 $0xFFFFFFFF  }
0xb8: {  	_ =	strace $0x90000048  }
0xb9: {  	_ =	sfence  }
0xba: {  	s30 =	sld [smem:$0x0];
	_ =	sdelay $0x2  }
0xbb: {  	s31 =	sshll.u32 s1, $0xD;
	s1 =	sshrl.u32 s1, $0x2  }
0xbc: {  	s3 =	sand.u32 $0x4000, s31;
	s1 =	sadd.s32 s1, s30  }
0xbd: {  	s0 =	sor.u32 s3, s0;
	s1 =	sshll.u32 s1, $0x11  }
0xbe: {  	s0 =	sor.u32 s1, s0  }
0xbf: {  	s0 =	sadd.s32 $0x8F2B, s0  }
0xc0: {  	[sflag:s0] =	ssyncadd.remote.s32 $0x1  }
0xc1: {  	_ =	sfence.sel $0xFFFF  }
0xc2: {  	[dreg:$0x0] =	wrdreg $0xFFFFFFFF;
	(pc) =	sbr.abs _section_cstart, $3  }
0xc3: {  	[dreg:$0x1] =	wrdreg $0xFFFFFFFF  }
0xc4: {  	_ =	task.clear_ibuf [dreg:s9], $0x2FFFF;
	_ =	strace $0x9FFFFFFF  }
0xc5: {  	(tm) =	ssettm $0x7FFFFFFF  }
tec
execute0_lowered:
.L_overlay_start_1:
0x0: {  	(tag) =	ssettag $0x1  }
0x1: {  	s1 =	rddreg [dreg:$0x0]  }
0x2: {  	s0 =	rddreg [dreg:$0x1]  }
0x3: {  	s2 =	rddreg [dreg:$0x2];
	s3 =	srdreg.scid  }
0x4: {  	s9 =	stileid.u32;
	s18 =	simm.s32 $0x400;
	s29 =	simm.s32 $0xDC00  }
0x5: {  	s30 =	simm.s32 $0x1;
	s28 =	simm.s32 $0x7;
	s31 =	simm.s32 $0x8  }
0x6: {  	s6 =	sand.u32 $0x1, s3;
	s3 =	simm.s32 $0x0;
	s5 =	sshll.u32 s9, $0x7  }
0x7: {  	s26 =	sshll.u32 s9, $0xB;
	s9 =	simm.s32 $0x0;
	s4 =	sshll.u32 s6, $0xB  }
0x8: {  	[smem:$0x7FF] =	sst s3;
	s7 =	ssub.s32 $0x2, s6;
	s6 =	sshll.u32 s6, $0xF  }
0x9: {  	s4 =	sor.u32 s5, s4;
	_ =	strace $0x80000047;
	s8 =	sshrl.u32 s7, $0x1  }
0xa: {  	s5 =	sshll.u32 s4, $0x4;
	s4 =	sadd.s32 s0, s4;
	s19 =	ssub.s32 s7, s8  }
0xb: {  	s0 =	simm.s32 $0x11C00;
	s7 =	simm.s32 $0x9;
	s8 =	simm.s32 $0xA  }
0xc: {  	s5 =	sadd.s32 s2, s5;
	[dreg:$0x4] =	wrdreg s4;
	s4 =	sadd.s32 $0x6000, s4  }
0xd: {  	s2 =	sadd.s32 s6, s2;
	s16 =	smax.u32 s19, $0x1;
	s19 =	simm.s32 $0x6  }
0xe: {  	s6 =	simm.s32 $0x5;
	[dreg:$0x5] =	wrdreg s4;
	s20 =	sadd.s32 $0x10000, s5  }
0xf: {  	s21 =	sadd.s32 $0x20000, s5;
	s22 =	sadd.s32 $0x30000, s5;
	[dreg:$0x6] =	wrdreg s20  }
0x10: {  	s23 =	sadd.s32 $0x40000, s5;
	s24 =	sadd.s32 $0x2D0000, s5;
	[dreg:$0x7] =	wrdreg s21  }
0x11: {  	s25 =	sadd.s32 $0x2E0000, s5;
	s13 =	sadd.s32 $0x2F0000, s5;
	[dreg:$0x8] =	wrdreg s22  }
0x12: {  	s14 =	sadd.s32 $0x300000, s5;
	s15 =	sadd.s32 $0x310000, s5;
	[dreg:$0x9] =	wrdreg s23  }
0x13: {  	s2 =	sadd.s32 s26, s2;
	s26 =	simm.s32 $0x9C00;
	[dreg:$0xa] =	wrdreg s24  }
0x14: {  	[dreg:$0xb] =	wrdreg s25;
	s17 =	sadd.s32 $0x50000, s2;
	s21 =	simm.s32 $0xB  }
0x15: {  	s22 =	simm.s32 $0x80;
	s23 =	simm.s32 $0x1C00;
	s24 =	simm.s32 $0x5C00  }
0x16: {  	s2 =	simm.s32 $0x2;
	s25 =	simm.s32 $0x3;
	s20 =	simm.s32 $0x4  }
.LBB2_1:
0x17: {  	s4 =	rddreg [dreg:$0x4];
	s10 =	simm.s32 $0x8000  }
0x18: {  	[tilespmem:s3], [sflag:$0xB] =	stream.strided.gather [hbm4b:s4+s18], $0x1800, s10, s18, $0x38;
	[tilespmem:$0x15C00] =	vst v63  }
0x19: {  	s11 =	rddreg [dreg:$0x5];
	s12 =	simm.s32 $0x1800  }
0x1a: {  	[tilespmem:s12], [sflag:$0xB] =	stream.linear.gather [hbm4b:s11+s3], $0x100, $0x38;
	[tilespmem:$0x15C00] =	vst v63  }
0x1b: {  	_ =	swait.ge [sflag:s21], $0x1900  }
0x1c: {  	[sflag:s21] =	ssyncset.done $0x0  }
0x1d: {  	[sflag:s21] =	ssyncadd.s32 $0xFFFFE700  }
0x1e: {  	[tilespmem:s23], [sflag:$0x1] =	stream.indirect.gather [hbm4b:s1+s22], $0x80, s3, s22, $0xb8;
	[tilespmem:$0x15C00] =	vst v63  }
0x1f: {  	_ = 	snop  }
0x20: {  	[tilespmem:s24], [sflag:$0x2] =	stream.indirect.gather [hbm4b:s1+s22], $0x80, s22, s22, $0xb8;
	[tilespmem:$0x15C00] =	vst v63  }
0x21: {  	s10 =	simm.s32 $0x100  }
0x22: {  	[tilespmem:s26], [sflag:$0x3] =	stream.indirect.gather [hbm4b:s1+s22], $0x80, s10, s22, $0xb8;
	[tilespmem:$0x15C00] =	vst v63  }
0x23: {  	s11 =	simm.s32 $0x180  }
0x24: {  	[tilespmem:s29], [sflag:$0x4] =	stream.indirect.gather [hbm4b:s1+s22], $0x80, s11, s22, $0xb8;
	[tilespmem:$0x15C00] =	vst v63  }
0x25: {  	_ =	swait.ge [sflag:s30], $0x4000  }
0x26: {  	[sflag:s30] =	ssyncset.done $0x0  }
0x27: {  	[sflag:s30] =	ssyncadd.s32 $0xFFFFC000  }
0x28: {  	[hbm4b:s5+s3] =	stream.linear.scatter [tilespmem:s23], [sflag:$0x6], $0x4000, $0x38;
	[tilespmem:$0x15C00] =	vst v63  }
0x29: {  	s12 =	simm.s32 $0x200  }
0x2a: {  	[tilespmem:s0], [sflag:$0x5] =	stream.indirect.gather [hbm4b:s1+s22], $0x80, s12, s22, $0xb8;
	[tilespmem:$0x15C00] =	vst v63  }
0x2b: {  	_ =	swait.ge [sflag:s2], $0x4000  }
0x2c: {  	[sflag:s2] =	ssyncset.done $0x0  }
0x2d: {  	s10 =	rddreg [dreg:$0x6];
	[sflag:s2] =	ssyncadd.s32 $0xFFFFC000  }
0x2e: {  	[hbm4b:s10+s3] =	stream.linear.scatter [tilespmem:s24], [sflag:$0x7], $0x4000, $0x38;
	[tilespmem:$0x15C00] =	vst v63  }
0x2f: {  	_ =	swait.ge [sflag:s19], $0x4000  }
0x30: {  	[sflag:s19] =	ssyncset.done $0x0  }
0x31: {  	s11 =	simm.s32 $0x280;
	[sflag:s19] =	ssyncadd.s32 $0xFFFFC000  }
0x32: {  	[tilespmem:s23], [sflag:$0x1] =	stream.indirect.gather [hbm4b:s1+s22], $0x80, s11, s22, $0xb8;
	[tilespmem:$0x15C00] =	vst v63  }
0x33: {  	_ =	swait.ge [sflag:s25], $0x4000  }
0x34: {  	[sflag:s25] =	ssyncset.done $0x0  }
0x35: {  	s12 =	rddreg [dreg:$0x7];
	[sflag:s25] =	ssyncadd.s32 $0xFFFFC000  }
0x36: {  	[hbm4b:s12+s3] =	stream.linear.scatter [tilespmem:s26], [sflag:$0x8], $0x4000, $0x38;
	[tilespmem:$0x15C00] =	vst v63  }
0x37: {  	_ =	swait.ge [sflag:s28], $0x4000  }
0x38: {  	[sflag:s28] =	ssyncset.done $0x0  }
0x39: {  	s10 =	simm.s32 $0x300;
	[sflag:s28] =	ssyncadd.s32 $0xFFFFC000  }
0x3a: {  	[tilespmem:s24], [sflag:$0x2] =	stream.indirect.gather [hbm4b:s1+s22], $0x80, s10, s22, $0xb8;
	[tilespmem:$0x15C00] =	vst v63  }
0x3b: {  	_ =	swait.ge [sflag:s20], $0x4000  }
0x3c: {  	[sflag:s20] =	ssyncset.done $0x0  }
0x3d: {  	s11 =	rddreg [dreg:$0x8];
	[sflag:s20] =	ssyncadd.s32 $0xFFFFC000  }
0x3e: {  	[hbm4b:s11+s3] =	stream.linear.scatter [tilespmem:s29], [sflag:$0x9], $0x4000, $0x38;
	[tilespmem:$0x15C00] =	vst v63  }
0x3f: {  	_ =	swait.ge [sflag:s31], $0x4000  }
0x40: {  	[sflag:s31] =	ssyncset.done $0x0  }
0x41: {  	s12 =	simm.s32 $0x380;
	[sflag:s31] =	ssyncadd.s32 $0xFFFFC000  }
0x42: {  	[tilespmem:s26], [sflag:$0x3] =	stream.indirect.gather [hbm4b:s1+s22], $0x80, s12, s22, $0xb8;
	[tilespmem:$0x15C00] =	vst v63  }
0x43: {  	_ =	swait.ge [sflag:s6], $0x4000  }
0x44: {  	[sflag:s6] =	ssyncset.done $0x0  }
0x45: {  	s10 =	rddreg [dreg:$0x9];
	[sflag:s6] =	ssyncadd.s32 $0xFFFFC000  }
0x46: {  	[hbm4b:s10+s3] =	stream.linear.scatter [tilespmem:s0], [sflag:$0xA], $0x4000, $0x38;
	[tilespmem:$0x15C00] =	vst v63  }
0x47: {  	_ =	swait.ge [sflag:s7], $0x4000  }
0x48: {  	[sflag:s7] =	ssyncset.done $0x0  }
0x49: {  	[sflag:s7] =	ssyncadd.s32 $0xFFFFC000  }
0x4a: {  	[tilespmem:s29], [sflag:$0x4] =	stream.indirect.gather [hbm4b:s1+s22], $0x80, s18, s22, $0xb8;
	[tilespmem:$0x15C00] =	vst v63  }
0x4b: {  	_ =	swait.ge [sflag:s30], $0x4000  }
0x4c: {  	[sflag:s30] =	ssyncset.done $0x0  }
0x4d: {  	[sflag:s30] =	ssyncadd.s32 $0xFFFFC000  }
0x4e: {  	[hbm4b:s17+s3] =	stream.linear.scatter [tilespmem:s23], [sflag:$0x6], $0x4000, $0x38;
	[tilespmem:$0x15C00] =	vst v63  }
0x4f: {  	_ =	swait.ge [sflag:s8], $0x4000  }
0x50: {  	[sflag:s8] =	ssyncset.done $0x0  }
0x51: {  	s11 =	simm.s32 $0x480;
	[sflag:s8] =	ssyncadd.s32 $0xFFFFC000  }
0x52: {  	[tilespmem:s0], [sflag:$0x5] =	stream.indirect.gather [hbm4b:s1+s22], $0x80, s11, s22, $0xb8;
	[tilespmem:$0x15C00] =	vst v63  }
0x53: {  	_ =	swait.ge [sflag:s2], $0x4000  }
0x54: {  	[sflag:s2] =	ssyncset.done $0x0  }
0x55: {  	s12 =	sadd.s32 $0x10000, s17;
	[sflag:s2] =	ssyncadd.s32 $0xFFFFC000  }
0x56: {  	[hbm4b:s12+s3] =	stream.linear.scatter [tilespmem:s24], [sflag:$0x7], $0x4000, $0x38;
	[tilespmem:$0x15C00] =	vst v63  }
0x57: {  	_ =	swait.ge [sflag:s19], $0x4000  }
0x58: {  	[sflag:s19] =	ssyncset.done $0x0  }
0x59: {  	s4 =	simm.s32 $0x500;
	[sflag:s19] =	ssyncadd.s32 $0xFFFFC000  }
0x5a: {  	[tilespmem:s23], [sflag:$0x1] =	stream.indirect.gather [hbm4b:s1+s22], $0x80, s4, s22, $0xb8;
	[tilespmem:$0x15C00] =	vst v63  }
0x5b: {  	_ =	swait.ge [sflag:s25], $0x4000  }
0x5c: {  	[sflag:s25] =	ssyncset.done $0x0  }
0x5d: {  	s11 =	sadd.s32 $0x20000, s17;
	[sflag:s25] =	ssyncadd.s32 $0xFFFFC000  }
0x5e: {  	[hbm4b:s11+s3] =	stream.linear.scatter [tilespmem:s26], [sflag:$0x8], $0x4000, $0x38;
	[tilespmem:$0x15C00] =	vst v63  }
0x5f: {  	_ =	swait.ge [sflag:s28], $0x4000  }
0x60: {  	[sflag:s28] =	ssyncset.done $0x0  }
0x61: {  	s12 =	simm.s32 $0x580;
	[sflag:s28] =	ssyncadd.s32 $0xFFFFC000  }
0x62: {  	[tilespmem:s24], [sflag:$0x2] =	stream.indirect.gather [hbm4b:s1+s22], $0x80, s12, s22, $0xb8;
	[tilespmem:$0x15C00] =	vst v63  }
0x63: {  	_ =	swait.ge [sflag:s20], $0x4000  }
0x64: {  	[sflag:s20] =	ssyncset.done $0x0  }
0x65: {  	s4 =	sadd.s32 $0x30000, s17;
	[sflag:s20] =	ssyncadd.s32 $0xFFFFC000  }
0x66: {  	[hbm4b:s4+s3] =	stream.linear.scatter [tilespmem:s29], [sflag:$0x9], $0x4000, $0x38;
	[tilespmem:$0x15C00] =	vst v63  }
0x67: {  	_ =	swait.ge [sflag:s31], $0x4000  }
0x68: {  	[sflag:s31] =	ssyncset.done $0x0  }
0x69: {  	s11 =	simm.s32 $0x600;
	[sflag:s31] =	ssyncadd.s32 $0xFFFFC000  }
0x6a: {  	[tilespmem:s26], [sflag:$0x3] =	stream.indirect.gather [hbm4b:s1+s22], $0x80, s11, s22, $0xb8;
	[tilespmem:$0x15C00] =	vst v63  }
0x6b: {  	_ =	swait.ge [sflag:s6], $0x4000  }
0x6c: {  	[sflag:s6] =	ssyncset.done $0x0  }
0x6d: {  	s12 =	sadd.s32 $0x40000, s17;
	[sflag:s6] =	ssyncadd.s32 $0xFFFFC000  }
0x6e: {  	[hbm4b:s12+s3] =	stream.linear.scatter [tilespmem:s0], [sflag:$0xA], $0x4000, $0x38;
	[tilespmem:$0x15C00] =	vst v63  }
0x6f: {  	_ =	swait.ge [sflag:s7], $0x4000  }
0x70: {  	s10 =	simm.s32 $0xA00;
	[sflag:s7] =	ssyncset.done $0x0  }
0x71: {  	s11 =	sadd.s32 $0x50000, s17;
	s12 =	simm.s32 $0x680;
	[sflag:s7] =	ssyncadd.s32 $0xFFFFC000  }
.LBB2_2:
0x72: {  	[tilespmem:s29], [sflag:$0x4] =	stream.indirect.gather [hbm4b:s1+s22], $0x80, s12, s22, $0xb8;
	[tilespmem:$0x15C00] =	vst v63  }
0x73: {  	s12 =	smov.u32 s10  }
0x74: {  	p0 =	sne.s32 s10, $0x4600;
	s10 =	sadd.s32 $0xA00, s10;
	_ =	swait.ge [sflag:s30], $0x4000  }
0x75: {  	[sflag:s30] =	ssyncset.done $0x0  }
0x76: {  	[sflag:s30] =	ssyncadd.s32 $0xFFFFC000  }
0x77: {  	[hbm4b:s11+s3] =	stream.linear.scatter [tilespmem:s23], [sflag:$0x6], $0x4000, $0x38;
	[tilespmem:$0x15C00] =	vst v63  }
0x78: {  	_ =	swait.ge [sflag:s8], $0x4000  }
0x79: {  	s12 =	sshra.s32 s12, $0x2;
	[sflag:s8] =	ssyncset.done $0x0  }
0x7a: {  	s4 =	sadd.s32 $0x480, s12;
	[sflag:s8] =	ssyncadd.s32 $0xFFFFC000  }
0x7b: {  	[tilespmem:s0], [sflag:$0x5] =	stream.indirect.gather [hbm4b:s1+s22], $0x80, s4, s22, $0xb8;
	[tilespmem:$0x15C00] =	vst v63  }
0x7c: {  	_ =	swait.ge [sflag:s2], $0x4000  }
0x7d: {  	[sflag:s2] =	ssyncset.done $0x0  }
0x7e: {  	s4 =	sadd.s32 $0x10000, s11;
	[sflag:s2] =	ssyncadd.s32 $0xFFFFC000  }
0x7f: {  	[hbm4b:s4+s3] =	stream.linear.scatter [tilespmem:s24], [sflag:$0x7], $0x4000, $0x38;
	[tilespmem:$0x15C00] =	vst v63  }
0x80: {  	_ =	swait.ge [sflag:s19], $0x4000  }
0x81: {  	[sflag:s19] =	ssyncset.done $0x0  }
0x82: {  	s4 =	sadd.s32 $0x500, s12;
	[sflag:s19] =	ssyncadd.s32 $0xFFFFC000  }
0x83: {  	[tilespmem:s23], [sflag:$0x1] =	stream.indirect.gather [hbm4b:s1+s22], $0x80, s4, s22, $0xb8;
	[tilespmem:$0x15C00] =	vst v63  }
0x84: {  	_ =	swait.ge [sflag:s25], $0x4000  }
0x85: {  	[sflag:s25] =	ssyncset.done $0x0  }
0x86: {  	s4 =	sadd.s32 $0x20000, s11;
	[sflag:s25] =	ssyncadd.s32 $0xFFFFC000  }
0x87: {  	[hbm4b:s4+s3] =	stream.linear.scatter [tilespmem:s26], [sflag:$0x8], $0x4000, $0x38;
	[tilespmem:$0x15C00] =	vst v63  }
0x88: {  	_ =	swait.ge [sflag:s28], $0x4000  }
0x89: {  	[sflag:s28] =	ssyncset.done $0x0  }
0x8a: {  	s4 =	sadd.s32 $0x580, s12;
	[sflag:s28] =	ssyncadd.s32 $0xFFFFC000  }
0x8b: {  	[tilespmem:s24], [sflag:$0x2] =	stream.indirect.gather [hbm4b:s1+s22], $0x80, s4, s22, $0xb8;
	[tilespmem:$0x15C00] =	vst v63  }
0x8c: {  	_ =	swait.ge [sflag:s20], $0x4000  }
0x8d: {  	[sflag:s20] =	ssyncset.done $0x0  }
0x8e: {  	s4 =	sadd.s32 $0x30000, s11;
	[sflag:s20] =	ssyncadd.s32 $0xFFFFC000  }
0x8f: {  	[hbm4b:s4+s3] =	stream.linear.scatter [tilespmem:s29], [sflag:$0x9], $0x4000, $0x38;
	[tilespmem:$0x15C00] =	vst v63  }
0x90: {  	_ =	swait.ge [sflag:s31], $0x4000  }
0x91: {  	[sflag:s31] =	ssyncset.done $0x0  }
0x92: {  	s4 =	sadd.s32 $0x600, s12;
	[sflag:s31] =	ssyncadd.s32 $0xFFFFC000  }
0x93: {  	[tilespmem:s26], [sflag:$0x3] =	stream.indirect.gather [hbm4b:s1+s22], $0x80, s4, s22, $0xb8;
	[tilespmem:$0x15C00] =	vst v63  }
0x94: {  	_ =	swait.ge [sflag:s6], $0x4000  }
0x95: {  	[sflag:s6] =	ssyncset.done $0x0  }
.Ltmp0:
0x96: {  	s4 =	sadd.s32 $0x40000, s11;
	[sflag:s6] =	ssyncadd.s32 $0xFFFFC000;
	(pc) =	sbr.rel @p0 .LBB2_2-.Ltmp0, $4  }
0x97: {  	[hbm4b:s4+s3] =	stream.linear.scatter [tilespmem:s0], [sflag:$0xA], $0x4000, $0x38;
	[tilespmem:$0x15C00] =	vst v63  }
0x98: {  	_ =	swait.ge [sflag:s7], $0x4000  }
0x99: {  	[sflag:s7] =	ssyncset.done $0x0  }
0x9a: {  	s12 =	sadd.s32 $0x680, s12;
	s11 =	sadd.s32 $0x50000, s11;
	[sflag:s7] =	ssyncadd.s32 $0xFFFFC000  }
0x9b: {  	[tilespmem:s29], [sflag:$0x4] =	stream.indirect.gather [hbm4b:s1+s22], $0x80, s12, s22, $0xb8;
	[tilespmem:$0x15C00] =	vst v63  }
0x9c: {  	_ =	swait.ge [sflag:s30], $0x4000  }
0x9d: {  	[sflag:s30] =	ssyncset.done $0x0  }
0x9e: {  	s4 =	rddreg [dreg:$0xa];
	[sflag:s30] =	ssyncadd.s32 $0xFFFFC000  }
0x9f: {  	[hbm4b:s4+s3] =	stream.linear.scatter [tilespmem:s23], [sflag:$0x6], $0x4000, $0x38;
	[tilespmem:$0x15C00] =	vst v63  }
0xa0: {  	_ =	swait.ge [sflag:s8], $0x4000  }
0xa1: {  	[sflag:s8] =	ssyncset.done $0x0  }
0xa2: {  	s11 =	simm.s32 $0x1880;
	[sflag:s8] =	ssyncadd.s32 $0xFFFFC000  }
0xa3: {  	[tilespmem:s0], [sflag:$0x5] =	stream.indirect.gather [hbm4b:s1+s22], $0x80, s11, s22, $0xb8;
	[tilespmem:$0x15C00] =	vst v63  }
0xa4: {  	_ =	swait.ge [sflag:s2], $0x4000  }
0xa5: {  	[sflag:s2] =	ssyncset.done $0x0  }
0xa6: {  	s12 =	rddreg [dreg:$0xb];
	[sflag:s2] =	ssyncadd.s32 $0xFFFFC000  }
0xa7: {  	[hbm4b:s12+s3] =	stream.linear.scatter [tilespmem:s24], [sflag:$0x7], $0x4000, $0x38;
	[tilespmem:$0x15C00] =	vst v63  }
0xa8: {  	_ =	swait.ge [sflag:s25], $0x4000  }
0xa9: {  	[sflag:s25] =	ssyncset.done $0x0  }
0xaa: {  	[sflag:s25] =	ssyncadd.s32 $0xFFFFC000  }
0xab: {  	[hbm4b:s13+s3] =	stream.linear.scatter [tilespmem:s26], [sflag:$0x8], $0x4000, $0x38;
	[tilespmem:$0x15C00] =	vst v63  }
0xac: {  	_ =	swait.ge [sflag:s20], $0x4000  }
0xad: {  	[sflag:s20] =	ssyncset.done $0x0  }
0xae: {  	[sflag:s20] =	ssyncadd.s32 $0xFFFFC000  }
0xaf: {  	[hbm4b:s14+s3] =	stream.linear.scatter [tilespmem:s29], [sflag:$0x9], $0x4000, $0x38;
	[tilespmem:$0x15C00] =	vst v63  }
0xb0: {  	_ =	swait.ge [sflag:s6], $0x4000  }
0xb1: {  	[sflag:s6] =	ssyncset.done $0x0  }
0xb2: {  	[sflag:s6] =	ssyncadd.s32 $0xFFFFC000  }
0xb3: {  	[hbm4b:s15+s3] =	stream.linear.scatter [tilespmem:s0], [sflag:$0xA], $0x4000, $0x38;
	[tilespmem:$0x15C00] =	vst v63  }
0xb4: {  	_ =	swait.ge [sflag:s19], $0x4000  }
0xb5: {  	[sflag:s19] =	ssyncset.done $0x0  }
0xb6: {  	[sflag:s19] =	ssyncadd.s32 $0xFFFFC000  }
0xb7: {  	_ =	swait.ge [sflag:s28], $0x4000  }
0xb8: {  	[sflag:s28] =	ssyncset.done $0x0  }
0xb9: {  	[sflag:s28] =	ssyncadd.s32 $0xFFFFC000  }
0xba: {  	_ =	swait.ge [sflag:s31], $0x4000  }
0xbb: {  	[sflag:s31] =	ssyncset.done $0x0  }
0xbc: {  	s9 =	sadd.s32 $0x1, s9;
	[sflag:s31] =	ssyncadd.s32 $0xFFFFC000  }
0xbd: {  	p0 =	sne.s32 s9, s16;
	_ =	swait.ge [sflag:s7], $0x4000  }
.Ltmp1:
0xbe: {  	[sflag:s7] =	ssyncset.done $0x0;
	(pc) =	sbr.rel @p0 .LBB2_1-.Ltmp1, $4  }
0xbf: {  	[sflag:s7] =	ssyncadd.s32 $0xFFFFC000  }
0xc0: {  	_ =	swait.ge [sflag:s8], $0x4000  }
0xc1: {  	[sflag:s8] =	ssyncset.done $0x0  }
0xc2: {  	[sflag:s8] =	ssyncadd.s32 $0xFFFFC000  }
0xc3: {  	_ =	sfence.sel $0x180000  }
0xc4: {  	[bflag:$0x0] =	sbarrier.arrive $0xFFFF  }
0xc5: {  	_ =	strace $0x90000047  }
0xc6: {  	s0 =	stileid.u32;
	[bflag:$0x2] =	sbarrier.arrive $0xFFFF  }
0xc7: {  	p0 =	sne.s32 s0, $0x0;
	s0 =	rddreg [dreg:$0x3]  }
0xc8: {  	s0 =	sadd.s32 @!p0 $0x100000, s0  }
0xc9: {  	[sflag:s0] =	ssyncadd.tile.s32 @!p0 $0x1;
	_ =	shalt  }
.Lfunc_end2:
_tile_overlayer_lowered:
.L_overlay_start_2:
0xca: {  	(tag) =	ssettag $0x2  }
0xcb: {  	s0 =	rddreg [dreg:$0x0];
	s2 =	stileid.u32  }
0xcc: {  	s1 =	rddreg [dreg:$0x1];
	p0 =	sne.s32 s2, $0x0  }
0xcd: {  	s3 =	rddreg [dreg:$0x2];
	[bflag:$0x3] =	sbarrier.arrive $0xFFFF;
	s2 =	simm.s32 @!p0 $0x1C0B  }
0xce: {  	[timem:s3], [sflag:s2] =	dma.local @!p0 [hbm:s0], s1  }
0xcf: {  	s0 =	simm.s32 @!p0 $0xB  }
0xd0: {  	_ =	swait.ge @!p0 [sflag:s0], s1  }
0xd1: {  	s1 =	ssub.s32 @!p0 $0x0, s1;
	[sflag:s0] =	ssyncset.done @!p0 $0x0  }
0xd2: {  	[sflag:s0] =	ssyncadd.s32 @!p0 s1  }
0xd3: {  	[bflag:$0x3] =	sbarrier.arrive $0xFFFF  }
0xd4: {  	_ =	shalt  }

</sc_bundles>
